<compile_context>
chip_gen: v7x
topology: tpu7x:2x2x1
jax: 0.10.2.dev20260603
libtpu: 0.0.44.dev20260713+nightly
codegen_flags: <defaults>
</compile_context>

<pallas_src>
import functools

import jax
import jax.numpy as jnp
from jax import lax
from jax.experimental import pallas as pl
from jax.experimental.pallas import tpu as pltpu
from jax.experimental.pallas import tpu_sc as plsc

SCALES = (128.0, 256.0, 512.0)
RATIOS = (0.5, 1.0, 2.0)
K = 9
NMS_TH = 0.7
PRE_TOPK = 10000
POST_TOPK = 2000
MIN_SIZE = 16.0
_IMG_H = 800
_IMG_W = 800

_GH = 50
_GW = 50
_PW = 56
_NP = _PW * _PW
_BLK = 128
_NBLK = 22
_ROWS_OUT = _NBLK * _BLK
_ROWS_IN = _ROWS_OUT + _BLK


def _conv_body(x0_ref, x1_ref, x2_ref, w9_ref, br_ref, wh_ref, bh_ref, out_ref):
    i = pl.program_id(0)
    base = i * _BLK
    xrefs = (x0_ref, x1_ref, x2_ref)
    acc = jnp.zeros((_BLK, 512), dtype=jnp.float32)
    for k in range(9):
        dy, dx = k // 3, k % 3
        xk = xrefs[dx][pl.ds(base + dy * _PW, _BLK), :]
        acc = acc + jnp.dot(xk, w9_ref[k], preferred_element_type=jnp.float32)
    hidden = jnp.maximum(acc + br_ref[0, :], 0.0)
    head = jnp.dot(hidden, wh_ref[:, :], preferred_element_type=jnp.float32)
    out_ref[...] = head + bh_ref[0, :]


def _conv_heads(feat, W_rpn, b_rpn, W_cls, b_cls, W_reg, b_reg):
    x = jnp.transpose(feat[0], (1, 2, 0))
    xp = jnp.zeros((_PW, _PW, 512), jnp.float32).at[1:51, 1:51, :].set(x)
    xp = xp.reshape(_NP, 512)
    xpf = jnp.zeros((_ROWS_IN + 8, 512), jnp.float32).at[:_ROWS_IN, :].set(xp[:_ROWS_IN])
    xs = [xpf[dx:dx + _ROWS_IN, :] for dx in range(3)]

    w9 = jnp.transpose(W_rpn, (2, 3, 1, 0)).reshape(9, 512, 512)
    wc = W_cls[:, :, 0, 0].T
    wr = W_reg[:, :, 0, 0].T
    wh = jnp.zeros((512, 128), jnp.float32)
    wh = wh.at[:, :9].set(wc).at[:, 9:45].set(wr)
    bh = jnp.zeros((1, 128), jnp.float32)
    bh = bh.at[0, :9].set(b_cls).at[0, 9:45].set(b_reg)
    br = b_rpn.reshape(1, 512)

    out = pl.pallas_call(
        _conv_body,
        grid=(_NBLK,),
        in_specs=[
            pl.BlockSpec((_ROWS_IN, 512), lambda i: (0, 0)),
            pl.BlockSpec((_ROWS_IN, 512), lambda i: (0, 0)),
            pl.BlockSpec((_ROWS_IN, 512), lambda i: (0, 0)),
            pl.BlockSpec((9, 512, 512), lambda i: (0, 0, 0)),
            pl.BlockSpec((1, 512), lambda i: (0, 0)),
            pl.BlockSpec((512, 128), lambda i: (0, 0)),
            pl.BlockSpec((1, 128), lambda i: (0, 0)),
        ],
        out_specs=pl.BlockSpec((_BLK, 128), lambda i: (i, 0)),
        out_shape=jax.ShapeDtypeStruct((_ROWS_OUT, 128), jnp.float32),
    )(xs[0], xs[1], xs[2], w9, br, wh, bh)

    grid_out = (
        jnp.zeros((_NP, 128), jnp.float32).at[:_ROWS_OUT, :].set(out)
        .reshape(_PW, _PW, 128)[:_GH, :_GW, :])
    cls_flat = grid_out[:, :, :9].reshape(-1)
    reg_flat = grid_out[:, :, 9:45].reshape(-1, 4)
    return cls_flat, reg_flat


def _anchor_geometry():
    scales = jnp.array(SCALES, dtype=jnp.float32)
    ratios = jnp.array(RATIOS, dtype=jnp.float32)
    h_ratio = jnp.sqrt(ratios)
    w_ratio = 1.0 / h_ratio
    ws = (w_ratio[:, None] * scales[None, :]).reshape(-1)
    hs = (h_ratio[:, None] * scales[None, :]).reshape(-1)
    base = jnp.round(jnp.stack([-ws, -hs, ws, hs], axis=1) / 2.0)
    bw = base[:, 2] - base[:, 0]
    bh = base[:, 3] - base[:, 1]
    bcx = base[:, 0] + 0.5 * bw
    bcy = base[:, 1] + 0.5 * bh
    sx = jnp.arange(_GW, dtype=jnp.float32)
    sy = jnp.arange(_GH, dtype=jnp.float32)
    syy, sxx = jnp.meshgrid(sy, sx, indexing="ij")
    sxx = sxx.reshape(-1)
    syy = syy.reshape(-1)
    aw = jnp.broadcast_to(bw[None, :], (_GH * _GW, K)).reshape(-1)
    ah = jnp.broadcast_to(bh[None, :], (_GH * _GW, K)).reshape(-1)
    acx = (sxx[:, None] + bcx[None, :]).reshape(-1)
    acy = (syy[:, None] + bcy[None, :]).reshape(-1)
    return aw, ah, acx, acy


_NA = 23040
_NAB = _NA // _BLK
_NMS_N = 10240
_NMS_NB = _NMS_N // _BLK
_OUT_N = 2048
_OUT_NB = _OUT_N // _BLK


def _decode_body(pred_ref, anch_ref, out_ref):
    pb = pred_ref[...]
    ab = anch_ref[...]
    dx, dy = pb[:, 0:1], pb[:, 1:2]
    dw, dh = pb[:, 2:3], pb[:, 3:4]
    score = pb[:, 4:5]
    aw, ah = ab[:, 0:1], ab[:, 1:2]
    acx, acy = ab[:, 2:3], ab[:, 3:4]
    pcx = dx * aw + acx
    pcy = dy * ah + acy
    pw = jnp.exp(dw) * aw
    ph = jnp.exp(dh) * ah
    x1 = jnp.clip(pcx - 0.5 * pw, 0.0, float(_IMG_W))
    y1 = jnp.clip(pcy - 0.5 * ph, 0.0, float(_IMG_H))
    x2 = jnp.clip(pcx + 0.5 * pw, 0.0, float(_IMG_W))
    y2 = jnp.clip(pcy + 0.5 * ph, 0.0, float(_IMG_H))
    ws = x2 - x1
    hs = y2 - y1
    valid = ((ws >= MIN_SIZE) & (hs >= MIN_SIZE)).astype(jnp.float32)
    area = ws * hs
    zero = jnp.zeros_like(score)
    c8 = jnp.concatenate([x1, y1, x2, y2, area, valid, score, zero], axis=1)
    out_ref[...] = jnp.concatenate(
        [c8, jnp.zeros((_BLK, _PAYW - 8), jnp.float32)], axis=1)


_SLAB = 1152
_NSLAB = _NA // _SLAB


def _rank_body(scol_ref, srow_ref, slab_ref, rank_ref, mm_ref):
    b = pl.program_id(0)
    sc = scol_ref[pl.ds(b * _BLK, _BLK), 4:5]
    ones_s = jnp.ones((_SLAB, 1), jnp.float32)
    ones_b = jnp.ones((_BLK, 1), jnp.float32)
    g0 = b // 9

    def slab_ge(g, a):
        m = (slab_ref[g] >= sc).astype(jnp.float32)
        return a + jnp.dot(m, ones_s, preferred_element_type=jnp.float32)

    def slab_gt(g, a):
        m = (slab_ref[g] > sc).astype(jnp.float32)
        return a + jnp.dot(m, ones_s, preferred_element_type=jnp.float32)

    def sub_ge(cj, a):
        m = (srow_ref[cj] >= sc).astype(jnp.float32)
        return a + jnp.dot(m, ones_b, preferred_element_type=jnp.float32)

    def sub_gt(cj, a):
        m = (srow_ref[cj] > sc).astype(jnp.float32)
        return a + jnp.dot(m, ones_b, preferred_element_type=jnp.float32)

    acc = jnp.zeros((_BLK, 1), jnp.float32)
    acc = jax.lax.fori_loop(0, g0, slab_ge, acc)
    acc = jax.lax.fori_loop(9 * g0, b, sub_ge, acc)
    sr = srow_ref[b]
    ii = jax.lax.broadcasted_iota(jnp.int32, (_BLK, _BLK), 0)
    jj = jax.lax.broadcasted_iota(jnp.int32, (_BLK, _BLK), 1)
    m = ((sr > sc) | ((sr == sc) & (jj < ii))).astype(jnp.float32)
    acc = acc + jnp.dot(m, ones_b, preferred_element_type=jnp.float32)
    acc = jax.lax.fori_loop(b + 1, 9 * g0 + 9, sub_gt, acc)
    acc = jax.lax.fori_loop(g0 + 1, _NSLAB, slab_gt, acc)
    rank_ref[...] = acc
    mm_ref[0, 0, 0] = jnp.min(acc)
    mm_ref[0, 0, 1] = jnp.max(acc)


_SCW = 32
_SC_PER = _NA // _SCW
_SC_DUMP = 128
_PAYW = 128


def _sc_scatter(payload16, rank_i32):
    mesh = plsc.VectorSubcoreMesh(core_axis_name="c", subcore_axis_name="s")

    @functools.partial(
        pl.kernel, mesh=mesh,
        out_type=jax.ShapeDtypeStruct((_NMS_N + _SC_DUMP, _PAYW), jnp.float32),
        scratch_types=[
            pltpu.VMEM((_SC_PER,), jnp.int32),
            pltpu.VMEM((_SC_PER, _PAYW), jnp.float32),
            pltpu.SemaphoreType.DMA,
        ],
    )
    def k(payload_hbm, rank_hbm, out_hbm, idx_v, rows_v, sem):
        wid = lax.axis_index("s") * 2 + lax.axis_index("c")
        base = wid * _SC_PER
        pltpu.sync_copy(rank_hbm.at[pl.ds(base, _SC_PER)], idx_v)
        pltpu.sync_copy(payload_hbm.at[pl.ds(base, _SC_PER), :], rows_v)
        dump0 = _NMS_N + wid * 4

        def fix(i, _):
            r = idx_v[pl.ds(i * 16, 16)]
            dump = dump0 + lax.rem(r, 4)
            idx_v[pl.ds(i * 16, 16)] = jnp.where(r < _NMS_N, r, dump)
            return 0

        lax.fori_loop(0, _SC_PER // 16, fix, 0)
        pltpu.async_copy(rows_v, out_hbm.at[idx_v], sem).wait()

    return k(payload16, rank_i32)


def _iou_gt(x1c, y1c, x2c, y2c, ac, x1j, y1j, x2j, y2j, aj):
    xx1 = jnp.maximum(x1c, x1j)
    yy1 = jnp.maximum(y1c, y1j)
    xx2 = jnp.minimum(x2c, x2j)
    yy2 = jnp.minimum(y2c, y2j)
    inter = jnp.maximum(xx2 - xx1, 0.0) * jnp.maximum(yy2 - yy1, 0.0)
    iou = inter / (ac + aj - inter + 1e-9)
    return (iou > NMS_TH).astype(jnp.float32)


def _nms_body(colmat_ref, x1r_ref, y1r_ref, x2r_ref, y2r_ref, ar_ref,
              validr_ref, keep_ref, sup_ref, m_ref):
    bi = pl.program_id(0)

    @pl.when(bi == 0)
    def _init():
        bb = jax.lax.broadcasted_iota(jnp.int32, (_NMS_NB, 1, _BLK), 0)
        ll = jax.lax.broadcasted_iota(jnp.int32, (_NMS_NB, 1, _BLK), 2)
        selm = ((bb * _BLK + ll) < PRE_TOPK).astype(jnp.float32)
        sup_ref[...] = 1.0 - validr_ref[...] * selm

    cb = colmat_ref[pl.ds(bi * _BLK, _BLK), :]
    x1c, y1c = cb[:, 0:1], cb[:, 1:2]
    x2c, y2c = cb[:, 2:3], cb[:, 3:4]
    ac = cb[:, 4:5]

    sup0 = sup_ref[bi]

    def do_scan(sup0):
        m = _iou_gt(x1c, y1c, x2c, y2c, ac,
                    x1r_ref[bi], y1r_ref[bi], x2r_ref[bi], y2r_ref[bi],
                    ar_ref[bi])
        ii = jax.lax.broadcasted_iota(jnp.int32, (_BLK, _BLK), 0)
        jj = jax.lax.broadcasted_iota(jnp.int32, (_BLK, _BLK), 1)
        m_ref[...] = jnp.where(jj > ii, m, 0.0)[:, None, :]
        lidx = jax.lax.broadcasted_iota(jnp.int32, (1, _BLK), 1)

        def intra(r, sup):
            srv = jnp.sum(jnp.where(lidx == r, sup, 0.0))
            return jnp.where(srv < 0.5, jnp.maximum(sup, m_ref[r]), sup)

        return jax.lax.fori_loop(0, _BLK, intra, sup0)

    sup = jax.lax.cond(jnp.min(sup0) < 0.5, do_scan, lambda s: s, sup0)
    sup_ref[bi] = sup
    keep_ref[...] = ((1.0 - sup) * validr_ref[bi])[None]
    kept = 1.0 - sup

    def cross(cj, _):
        cur = sup_ref[cj]

        def hit(cur):
            m2 = _iou_gt(x1c, y1c, x2c, y2c, ac,
                         x1r_ref[cj], y1r_ref[cj], x2r_ref[cj], y2r_ref[cj],
                         ar_ref[cj])
            hits = jnp.dot(kept, m2, preferred_element_type=jnp.float32)
            return jnp.maximum(cur, (hits > 0.0).astype(jnp.float32))

        sup_ref[cj] = jax.lax.cond(jnp.min(cur) < 0.5, hit, lambda c: c, cur)
        return 0

    @pl.when(jnp.max(kept) > 0.5)
    def _do_cross():
        jax.lax.fori_loop(bi + 1, _NMS_NB, cross, 0)


def _compact_body(colmat_ref, keepr_ref, tri_ref, out_ref):
    sb = pl.program_id(0)
    shat = (jax.lax.broadcasted_iota(jnp.int32, (_BLK, 1), 0)
            + sb * _BLK).astype(jnp.float32)
    tri = tri_ref[...]

    lo = jnp.float32(sb * _BLK)
    hi = lo + float(_BLK)

    def step(cj, carry):
        acc, base = carry
        keep = keepr_ref[cj]
        total = jnp.sum(keep)

        def hit(acc):
            pref = jnp.dot(keep, tri, preferred_element_type=jnp.float32)
            slot = base + pref - keep
            oh = ((slot == shat) & (keep > 0.5)).astype(jnp.float32)
            blk = colmat_ref[pl.ds(cj * _BLK, _BLK), :]
            return acc + jnp.dot(oh, blk, preferred_element_type=jnp.float32,
                                 precision=jax.lax.Precision.HIGHEST)

        overlap = (total > 0.0) & (base < hi) & (base + total > lo)
        acc = jax.lax.cond(overlap, hit, lambda a: a, acc)
        return acc, base + total

    out, _ = jax.lax.fori_loop(
        0, _NMS_NB, step,
        (jnp.zeros((_BLK, 8), jnp.float32), jnp.float32(0.0)))
    out_ref[...] = out


def _nms_keep(colmat):
    cmt = colmat.T
    rows = [cmt[c].reshape(_NMS_NB, 1, _BLK) for c in range(6)]
    return pl.pallas_call(
        _nms_body,
        grid=(_NMS_NB,),
        in_specs=[pl.BlockSpec((_NMS_N, 8), lambda i: (0, 0))]
        + [pl.BlockSpec((_NMS_NB, 1, _BLK), lambda i: (0, 0, 0))] * 6,
        out_specs=pl.BlockSpec((1, 1, _BLK), lambda i: (i, 0, 0)),
        out_shape=jax.ShapeDtypeStruct((_NMS_NB, 1, _BLK), jnp.float32),
        scratch_shapes=[
            pltpu.VMEM((_NMS_NB, 1, _BLK), jnp.float32),
            pltpu.VMEM((_BLK, 1, _BLK), jnp.float32),
        ],
    )(colmat, *rows)


def kernel(feat, image, W_rpn, b_rpn, W_cls, b_cls, W_reg, b_reg):
    cls_flat, reg_flat = _conv_heads(feat, W_rpn, b_rpn, W_cls, b_cls, W_reg, b_reg)
    scores = jax.nn.sigmoid(cls_flat)
    nreal = cls_flat.shape[0]

    s_pad = jnp.concatenate(
        [scores, jnp.full((_NA - nreal,), -1.0, jnp.float32)])
    pred = jnp.zeros((_NA, 8), jnp.float32)
    pred = pred.at[:nreal, 0:4].set(reg_flat).at[:, 4].set(s_pad)
    aw, ah, acx, acy = _anchor_geometry()
    anch = jnp.zeros((_NA, 8), jnp.float32)
    anch = (anch.at[:nreal, 0].set(aw).at[:nreal, 1].set(ah)
            .at[:nreal, 2].set(acx).at[:nreal, 3].set(acy))

    payload = pl.pallas_call(
        _decode_body,
        grid=(_NAB,),
        in_specs=[pl.BlockSpec((_BLK, 8), lambda i: (i, 0))] * 2,
        out_specs=pl.BlockSpec((_BLK, _PAYW), lambda i: (i, 0)),
        out_shape=jax.ShapeDtypeStruct((_NA, _PAYW), jnp.float32),
    )(pred, anch)

    srow = s_pad.reshape(_NAB, 1, _BLK)
    slab = s_pad.reshape(_NSLAB, 1, _SLAB)
    rank, minmax = pl.pallas_call(
        _rank_body,
        grid=(_NAB,),
        in_specs=[
            pl.BlockSpec((_NA, 8), lambda i: (0, 0)),
            pl.BlockSpec((_NAB, 1, _BLK), lambda i: (0, 0, 0)),
            pl.BlockSpec((_NSLAB, 1, _SLAB), lambda i: (0, 0, 0)),
        ],
        out_specs=[
            pl.BlockSpec((_BLK, 1), lambda i: (i, 0)),
            pl.BlockSpec((1, 1, 2), lambda i: (i, 0, 0),
                         memory_space=pltpu.SMEM),
        ],
        out_shape=[
            jax.ShapeDtypeStruct((_NA, 1), jnp.float32),
            jax.ShapeDtypeStruct((_NAB, 1, 2), jnp.float32),
        ],
    )(pred, srow, slab)
    del minmax
    rank_i32 = rank[:, 0].astype(jnp.int32)
    colmat = _sc_scatter(payload, rank_i32)[:_NMS_N, :8]

    keep = _nms_keep(colmat)

    ii = jax.lax.broadcasted_iota(jnp.int32, (_BLK, _BLK), 0)
    jj = jax.lax.broadcasted_iota(jnp.int32, (_BLK, _BLK), 1)
    tri = (ii <= jj).astype(jnp.float32)
    out = pl.pallas_call(
        _compact_body,
        grid=(_OUT_NB,),
        in_specs=[
            pl.BlockSpec((_NMS_N, 8), lambda i: (0, 0)),
            pl.BlockSpec((_NMS_NB, 1, _BLK), lambda i: (0, 0, 0)),
            pl.BlockSpec((_BLK, _BLK), lambda i: (0, 0)),
        ],
        out_specs=pl.BlockSpec((_BLK, 8), lambda i: (i, 0)),
        out_shape=jax.ShapeDtypeStruct((_OUT_N, 8), jnp.float32),
    )(colmat, keep, tri)

    return out[:POST_TOPK, 0:4], out[:POST_TOPK, 6]

# --- scband reference (transcript-rebuilt; emitter-appended) ---
"""Pipeline reference for scband-region-proposal-network-8160437862425 (READ-ONLY COPY).

The authoritative reference and input builder live on the scoring server;
editing this copy changes nothing except your own understanding.
"""

import jax, jax.numpy as jnp
import numpy as np

SCALES = jnp.array([128.0, 256.0, 512.0], dtype=jnp.float32)
RATIOS = jnp.array([0.5, 1.0, 2.0], dtype=jnp.float32)
K = 9
NMS_TH = 0.7
PRE_TOPK = 10000
POST_TOPK = 2000
MIN_SIZE = 16.0


def conv2d(x, w, b, pad):
    out = jax.lax.conv_general_dilated(x, w, (1, 1), ((pad, pad), (pad, pad)), dimension_numbers=('NCHW', 'OIHW', 'NCHW'))
    return out + b[None, :, None, None]


def generate_anchors(grid_h, grid_w):
    # Faithful to torch generate_anchor: stride computed but never applied to shifts
    h_ratio = jnp.sqrt(RATIOS)
    w_ratio = 1.0 / h_ratio
    ws = (w_ratio[:, None] * SCALES[None, :]).reshape(-1)
    hs = (h_ratio[:, None] * SCALES[None, :]).reshape(-1)
    base = jnp.round(jnp.stack([-ws, -hs, ws, hs], axis=1) / 2.0)
    sx = jnp.arange(grid_w, dtype=jnp.float32)
    sy = jnp.arange(grid_h, dtype=jnp.float32)
    syy, sxx = jnp.meshgrid(sy, sx, indexing='ij')
    sxx = sxx.reshape(-1)
    syy = syy.reshape(-1)
    shifts = jnp.stack([sxx, syy, sxx, syy], axis=1)
    return (shifts[:, None, :] + base[None, :, :]).reshape(-1, 4)


def apply_regression(pred, anchors):
    pred = pred.reshape(pred.shape[0], -1, 4)
    w = anchors[:, 2] - anchors[:, 0]
    h = anchors[:, 3] - anchors[:, 1]
    cx = anchors[:, 0] + 0.5 * w
    cy = anchors[:, 1] + 0.5 * h
    dx, dy, dw, dh = pred[..., 0], pred[..., 1], pred[..., 2], pred[..., 3]
    pcx = dx * w[:, None] + cx[:, None]
    pcy = dy * h[:, None] + cy[:, None]
    pw = jnp.exp(dw) * w[:, None]
    ph = jnp.exp(dh) * h[:, None]
    return jnp.stack([pcx - 0.5 * pw, pcy - 0.5 * ph, pcx + 0.5 * pw, pcy + 0.5 * ph], axis=2)


def nms_keep_mask(boxes, scores, iou_th):
    # Greedy NMS over static shapes; returns bool keep mask in original order.
    n = boxes.shape[0]
    order = jnp.argsort(-scores)
    b = boxes[order]
    x1, y1, x2, y2 = b[:, 0], b[:, 1], b[:, 2], b[:, 3]
    areas = (x2 - x1) * (y2 - y1)
    idx = jnp.arange(n)

    def body(i, suppressed):
        active = jnp.logical_not(suppressed[i])
        xx1 = jnp.maximum(x1[i], x1)
        yy1 = jnp.maximum(y1[i], y1)
        xx2 = jnp.minimum(x2[i], x2)
        yy2 = jnp.minimum(y2[i], y2)
        inter = jnp.maximum(xx2 - xx1, 0.0) * jnp.maximum(yy2 - yy1, 0.0)
        iou = inter / (areas[i] + areas - inter + 1e-9)
        return suppressed | (active & (iou > iou_th) & (idx > i))

    suppressed = jax.lax.fori_loop(0, n, body, jnp.zeros((n,), dtype=bool))
    return jnp.zeros((n,), dtype=bool).at[order].set(jnp.logical_not(suppressed))


def rpn_forward(feat, image, W_rpn, b_rpn, W_cls, b_cls, W_reg, b_reg):
    img_h, img_w = image.shape[-2], image.shape[-1]
    gh, gw = feat.shape[-2], feat.shape[-1]
    x = jax.nn.relu(conv2d(feat, W_rpn, b_rpn, 1))
    cls_logits = conv2d(x, W_cls, b_cls, 0)
    box_pred = conv2d(x, W_reg, b_reg, 0)
    anchors = generate_anchors(gh, gw)
    cls_scores = jnp.transpose(cls_logits, (0, 2, 3, 1)).reshape(-1)
    bp = box_pred.reshape(1, K, 4, gh, gw)
    bp = jnp.transpose(bp, (0, 3, 4, 1, 2)).reshape(-1, 4)
    proposals = apply_regression(bp[:, None, :], anchors).reshape(-1, 4)
    # filter_proposals
    scores = jax.nn.sigmoid(cls_scores)
    _, top_idx = jax.lax.top_k(jax.lax.stop_gradient(scores), PRE_TOPK)
    scores = scores[top_idx]
    props = proposals[top_idx]
    px1 = jnp.clip(props[:, 0], 0.0, float(img_w))
    py1 = jnp.clip(props[:, 1], 0.0, float(img_h))
    px2 = jnp.clip(props[:, 2], 0.0, float(img_w))
    py2 = jnp.clip(props[:, 3], 0.0, float(img_h))
    props = jnp.stack([px1, py1, px2, py2], axis=1)
    ws = props[:, 2] - props[:, 0]
    hs = props[:, 3] - props[:, 1]
    valid = (ws >= MIN_SIZE) & (hs >= MIN_SIZE)
    masked = jnp.where(valid, scores, -1.0)
    keep = nms_keep_mask(jax.lax.stop_gradient(props), jax.lax.stop_gradient(masked), NMS_TH) & valid
    final_masked = jnp.where(keep, masked, -1.0)
    _, post_idx = jax.lax.top_k(jax.lax.stop_gradient(final_masked), POST_TOPK)
    keep_g = keep[post_idx]
    out_props = jnp.where(keep_g[:, None], props[post_idx], 0.0)
    out_scores = jnp.where(keep_g, scores[post_idx], 0.0)
    return out_props, out_scores


def setup_inputs(seed: int = 0):
    key = jax.random.key(seed)
    ks = jax.random.split(key, 8)
    feat = jax.random.normal(ks[0], (1, 512, 50, 50), dtype=jnp.float32)
    image = jax.random.normal(ks[1], (1, 3, 800, 800), dtype=jnp.float32)
    W_rpn = jax.random.normal(ks[2], (512, 512, 3, 3), dtype=jnp.float32) * 0.01
    b_rpn = jnp.zeros((512,), dtype=jnp.float32)
    W_cls = jax.random.normal(ks[3], (9, 512, 1, 1), dtype=jnp.float32) * 0.01
    b_cls = jnp.zeros((9,), dtype=jnp.float32)
    W_reg = jax.random.normal(ks[4], (36, 512, 1, 1), dtype=jnp.float32) * 0.01
    b_reg = jnp.zeros((36,), dtype=jnp.float32)
    return {"feat": feat, "image": image, "W_rpn": W_rpn, "b_rpn": b_rpn, "W_cls": W_cls, "b_cls": b_cls, "W_reg": W_reg, "b_reg": b_reg}


def reference(feat, image, W_rpn, b_rpn, W_cls, b_cls, W_reg, b_reg):
    return rpn_forward(feat, image, W_rpn, b_rpn, W_cls, b_cls, W_reg, b_reg)

if __name__ == "__main__":
    import jax
    _d = setup_inputs()
    print(jax.jit(kernel)(*tuple(_d.values())))

</pallas_src>

<mosaic_0001>
#map = affine_map<(d0, d1) -> (0, 0)>
#map1 = affine_map<(d0, d1) -> (0)>
module attributes {stable_mosaic.version = 14 : i64} {
  func.func @k(%arg0: i32, %arg1: i32, %arg2: memref<23040x128xf32, #tpu.memory_space<hbm>>, %arg3: memref<23040xi32, #tpu.memory_space<hbm>>, %arg4: memref<10368x128xf32, #tpu.memory_space<hbm>>, %arg5: memref<720xi32, #tpu.memory_space<vmem>>, %arg6: memref<720x128xf32, #tpu.memory_space<vmem>>, %arg7: memref<!tpu.dma_semaphore, #tpu.memory_space<semaphore_mem>>) attributes {dimension_semantics = [#tpu.dimension_semantics<core_parallel>, #tpu.dimension_semantics<subcore_parallel>], iteration_bounds = array<i64: 2, 16>, scalar_prefetch = 0 : i64, scratch_operands = 3 : i64, tpu.core_type = #tpu.core_type<sc_vector_subcore>, window_params = [{transform_indices = #map}, {transform_indices = #map1}, {transform_indices = #map}]} {
    %mul3A = arith.constant 2 : i32
    %mul3A_0 = arith.muli %arg1, %mul3A : i32
    %add3A = arith.addi %mul3A_0, %arg0 : i32
    %mul3A_1 = arith.constant 720 : i32
    %mul3A_2 = arith.muli %add3A, %mul3A_1 : i32
    "tpu.region"() ({
      %run_scoped3A = tpu.sem_alloc : memref<!tpu.dma_semaphore, #tpu.memory_space<semaphore_mem>>
      %dma_start3A_17 = tpu.memref_slice %arg3[%mul3A_2] : memref<23040xi32, #tpu.memory_space<hbm>> -> memref<720xi32, #tpu.memory_space<hbm>>
      %dma_start3A_18 = tpu.memref_slice %arg3[%mul3A_2] : memref<23040xi32, #tpu.memory_space<hbm>> -> memref<720xi32, #tpu.memory_space<hbm>>
      tpu.enqueue_dma source(%dma_start3A_18 : memref<720xi32, #tpu.memory_space<hbm>>) target(%arg5 : memref<720xi32, #tpu.memory_space<vmem>>) target_semaphore(%run_scoped3A : memref<!tpu.dma_semaphore, #tpu.memory_space<semaphore_mem>>)
      %dma_wait3A_19 = tpu.memref_slice %arg3[%mul3A_2] : memref<23040xi32, #tpu.memory_space<hbm>> -> memref<720xi32, #tpu.memory_space<hbm>>
      %dma_wait3A_20 = tpu.memref_slice %arg3[%mul3A_2] : memref<23040xi32, #tpu.memory_space<hbm>> -> memref<720xi32, #tpu.memory_space<hbm>>
      tpu.wait_dma2 semaphore(%run_scoped3A : memref<!tpu.dma_semaphore, #tpu.memory_space<semaphore_mem>>) src(%dma_wait3A_20 : memref<720xi32, #tpu.memory_space<hbm>>) dst(%arg5 : memref<720xi32, #tpu.memory_space<vmem>>)
      tpu.yield
    }) : () -> ()
    "tpu.region"() ({
      %run_scoped3A = tpu.sem_alloc : memref<!tpu.dma_semaphore, #tpu.memory_space<semaphore_mem>>
      %dma_start3A_17 = arith.constant 0 : i32
      %dma_start3A_18 = tpu.memref_slice %arg2[%mul3A_2, %dma_start3A_17] : memref<23040x128xf32, #tpu.memory_space<hbm>> -> memref<720x128xf32, #tpu.memory_space<hbm>>
      %dma_start3A_19 = arith.constant 0 : i32
      %dma_start3A_20 = tpu.memref_slice %arg2[%mul3A_2, %dma_start3A_19] : memref<23040x128xf32, #tpu.memory_space<hbm>> -> memref<720x128xf32, #tpu.memory_space<hbm>>
      tpu.enqueue_dma source(%dma_start3A_20 : memref<720x128xf32, #tpu.memory_space<hbm>>) target(%arg6 : memref<720x128xf32, #tpu.memory_space<vmem>>) target_semaphore(%run_scoped3A : memref<!tpu.dma_semaphore, #tpu.memory_space<semaphore_mem>>)
      %dma_wait3A_21 = arith.constant 0 : i32
      %dma_wait3A_22 = tpu.memref_slice %arg2[%mul3A_2, %dma_wait3A_21] : memref<23040x128xf32, #tpu.memory_space<hbm>> -> memref<720x128xf32, #tpu.memory_space<hbm>>
      %dma_wait3A_23 = arith.constant 0 : i32
      %dma_wait3A_24 = tpu.memref_slice %arg2[%mul3A_2, %dma_wait3A_23] : memref<23040x128xf32, #tpu.memory_space<hbm>> -> memref<720x128xf32, #tpu.memory_space<hbm>>
      tpu.wait_dma2 semaphore(%run_scoped3A : memref<!tpu.dma_semaphore, #tpu.memory_space<semaphore_mem>>) src(%dma_wait3A_24 : memref<720x128xf32, #tpu.memory_space<hbm>>) dst(%arg6 : memref<720x128xf32, #tpu.memory_space<vmem>>)
      tpu.yield
    }) : () -> ()
    %mul3A_3 = arith.constant 4 : i32
    %mul3A_4 = arith.muli %add3A, %mul3A_3 : i32
    %add3A_5 = arith.constant 10240 : i32
    %add3A_6 = arith.addi %add3A_5, %mul3A_4 : i32
    %scan3A = arith.constant 0 : i32
    %scan3A_7 = arith.constant 0 : i32
    %scan3A_8 = arith.constant 45 : i32
    %scan3A_9 = arith.addi %scan3A_7, %scan3A_8 : i32
    %scan3A_10 = arith.constant 1 : i32
    %scan3A_11 = scf.for %scan3A_17 = %scan3A_7 to %scan3A_9 step %scan3A_10 iter_args(%scan3A_18 = %scan3A) -> (i32)  : i32 {
      %mul3A_19 = arith.constant 16 : i32
      %mul3A_20 = arith.muli %scan3A_17, %mul3A_19 : i32
      %get3A = arith.index_cast %mul3A_20 : i32 to index
      %get3A_21 = tpu.vector_load %arg5[%get3A] {strides = array<i32>} : memref<720xi32, #tpu.memory_space<vmem>>, vector<16xi32>,
      %get3A_22 = vector.shape_cast %get3A_21 : vector<16xi32> to vector<16xi32>
      %rem3A = arith.constant 4 : i32
      %rem3A_23 = vector.broadcast %rem3A : i32 to vector<16xi32>
      %rem3A_24 = arith.remsi %get3A_22, %rem3A_23 : vector<16xi32>
      %add3A_25 = vector.broadcast %add3A_6 : i32 to vector<16xi32>
      %add3A_26 = arith.addi %add3A_25, %rem3A_24 : vector<16xi32>
      %lt3A = arith.constant 10240 : i32
      %lt3A_27 = vector.broadcast %lt3A : i32 to vector<16xi32>
      %lt3A_28 = arith.cmpi slt, %get3A_22, %lt3A_27 : vector<16xi32>
      %select_n3A = arith.select %lt3A_28, %get3A_22, %add3A_26 : vector<16xi1>, vector<16xi32>
      %mul3A_29 = arith.constant 16 : i32
      %mul3A_30 = arith.muli %scan3A_17, %mul3A_29 : i32
      %swap3A = arith.index_cast %mul3A_30 : i32 to index
      %swap3A_31 = tpu.vector_load %arg5[%swap3A] {strides = array<i32>} : memref<720xi32, #tpu.memory_space<vmem>>, vector<16xi32>,
      %swap3A_32 = vector.shape_cast %swap3A_31 : vector<16xi32> to vector<16xi32>
      %swap3A_33 = vector.shape_cast %select_n3A : vector<16xi32> to vector<16xi32>
      tpu.vector_store %arg5[%swap3A], %swap3A_33 {strides = array<i32>} : memref<720xi32, #tpu.memory_space<vmem>>, vector<16xi32>,
      %scan3A_34 = arith.constant 0 : i32
      scf.yield %scan3A_34 : i32
    }
    %scan3A_12 = arith.constant 45 : i32
    %dma_start3A = arith.constant 0 : i32
    %dma_start3A_13 = arith.constant 0 : i32
    %dma_start3A_14 = tpu.memref_slice %arg4[%dma_start3A, %dma_start3A_13] : memref<10368x128xf32, #tpu.memory_space<hbm>> -> memref<10368x128xf32, #tpu.memory_space<hbm>>
    tpu.enqueue_indirect_dma source(%arg6 : memref<720x128xf32, #tpu.memory_space<vmem>>) target(%dma_start3A_14 : memref<10368x128xf32, #tpu.memory_space<hbm>>) offsets(%arg5 : memref<720xi32, #tpu.memory_space<vmem>>) semaphore(%arg7 : memref<!tpu.dma_semaphore, #tpu.memory_space<semaphore_mem>>)
    %dma_wait3A = arith.constant 0 : i32
    %dma_wait3A_15 = arith.constant 0 : i32
    %dma_wait3A_16 = tpu.memref_slice %arg4[%dma_wait3A, %dma_wait3A_15] : memref<10368x128xf32, #tpu.memory_space<hbm>> -> memref<10368x128xf32, #tpu.memory_space<hbm>>
    tpu.wait_indirect_dma semaphore(%arg7 : memref<!tpu.dma_semaphore, #tpu.memory_space<semaphore_mem>>) src(%arg6 : memref<720x128xf32, #tpu.memory_space<vmem>>) dst(%dma_wait3A_16 : memref<10368x128xf32, #tpu.memory_space<hbm>>)
    return
  }
}

module attributes {stable_mosaic.version = 14 : i64} {
  func.func @_conv_body(%arg0: i32, %arg1: memref<2944x512xf32, #tpu.memory_space<vmem>>, %arg2: memref<2944x512xf32, #tpu.memory_space<vmem>>, %arg3: memref<2944x512xf32, #tpu.memory_space<vmem>>, %arg4: memref<9x512x512xf32, #tpu.memory_space<vmem>>, %arg5: memref<1x512xf32, #tpu.memory_space<vmem>>, %arg6: memref<512x128xf32, #tpu.memory_space<vmem>>, %arg7: memref<1x128xf32, #tpu.memory_space<vmem>>, %arg8: memref<128x128xf32, #tpu.memory_space<vmem>>) attributes {dimension_semantics = [#tpu.dimension_semantics<arbitrary>], iteration_bounds = array<i64: 22>, scalar_prefetch = 0 : i64, scratch_operands = 0 : i64, tpu.core_type = #tpu.core_type<tc>, window_params = [{pipeline_mode = #tpu.pipeline_mode<synchronous>, transform_indices = @transform_0, window_bounds = array<i64: 2944, 512>}, {pipeline_mode = #tpu.pipeline_mode<synchronous>, transform_indices = @transform_1, window_bounds = array<i64: 2944, 512>}, {pipeline_mode = #tpu.pipeline_mode<synchronous>, transform_indices = @transform_2, window_bounds = array<i64: 2944, 512>}, {pipeline_mode = #tpu.pipeline_mode<synchronous>, transform_indices = @transform_3, window_bounds = array<i64: 9, 512, 512>}, {pipeline_mode = #tpu.pipeline_mode<synchronous>, transform_indices = @transform_4, window_bounds = array<i64: 1, 512>}, {pipeline_mode = #tpu.pipeline_mode<synchronous>, transform_indices = @transform_5, window_bounds = array<i64: 512, 128>}, {pipeline_mode = #tpu.pipeline_mode<synchronous>, transform_indices = @transform_6, window_bounds = array<i64: 1, 128>}, {transform_indices = @transform_7, window_bounds = array<i64: 128, 128>}]} {
    %mul3A = arith.constant 128 : i32
    %mul3A_0 = arith.muli %arg0, %mul3A : i32
    %broadcast_in_dim3A = arith.constant 0.000000e+00 : f32
    %broadcast_in_dim3A_1 = vector.broadcast %broadcast_in_dim3A : f32 to vector<128x512xf32>
    %add3A = arith.constant 0 : i32
    %add3A_2 = arith.addi %mul3A_0, %add3A : i32
    %get3A = arith.index_cast %add3A_2 : i32 to index
    %get3A_3 = arith.constant 0 : index
    %get3A_4 = vector.load %arg1[%get3A, %get3A_3] : memref<2944x512xf32, #tpu.memory_space<vmem>>, vector<128x512xf32>
    %get3A_5 = arith.constant 0 : index
    %get3A_6 = arith.constant 0 : index
    %get3A_7 = arith.constant 0 : index
    %get3A_8 = vector.load %arg4[%get3A_5, %get3A_6, %get3A_7] : memref<9x512x512xf32, #tpu.memory_space<vmem>>, vector<1x512x512xf32>
    %get3A_9 = vector.shape_cast %get3A_8 : vector<1x512x512xf32> to vector<512x512xf32>
    %dot_general3A = arith.constant dense<0.000000e+00> : vector<128x512xf32>
    %dot_general3A_10 = tpu.matmul %get3A_4, %get3A_9, %dot_general3A {dimension_numbers = #tpu.dot_dimension_numbers<[1], [0], [0], [1], [0, 0, 1, 1], [], []>, transpose_lhs_hint = false} : vector<128x512xf32>, vector<512x512xf32>, vector<128x512xf32> -> vector<128x512xf32>
    %add3A_11 = arith.addf %broadcast_in_dim3A_1, %dot_general3A_10 : vector<128x512xf32>
    %add3A_12 = arith.constant 0 : i32
    %add3A_13 = arith.addi %mul3A_0, %add3A_12 : i32
    %get3A_14 = arith.index_cast %add3A_13 : i32 to index
    %get3A_15 = arith.constant 0 : index
    %get3A_16 = vector.load %arg2[%get3A_14, %get3A_15] : memref<2944x512xf32, #tpu.memory_space<vmem>>, vector<128x512xf32>
    %get3A_17 = arith.constant 1 : index
    %get3A_18 = arith.constant 0 : index
    %get3A_19 = arith.constant 0 : index
    %get3A_20 = vector.load %arg4[%get3A_17, %get3A_18, %get3A_19] : memref<9x512x512xf32, #tpu.memory_space<vmem>>, vector<1x512x512xf32>
    %get3A_21 = vector.shape_cast %get3A_20 : vector<1x512x512xf32> to vector<512x512xf32>
    %dot_general3A_22 = arith.constant dense<0.000000e+00> : vector<128x512xf32>
    %dot_general3A_23 = tpu.matmul %get3A_16, %get3A_21, %dot_general3A_22 {dimension_numbers = #tpu.dot_dimension_numbers<[1], [0], [0], [1], [0, 0, 1, 1], [], []>, transpose_lhs_hint = false} : vector<128x512xf32>, vector<512x512xf32>, vector<128x512xf32> -> vector<128x512xf32>
    %add3A_24 = arith.addf %add3A_11, %dot_general3A_23 : vector<128x512xf32>
    %add3A_25 = arith.constant 0 : i32
    %add3A_26 = arith.addi %mul3A_0, %add3A_25 : i32
    %get3A_27 = arith.index_cast %add3A_26 : i32 to index
    %get3A_28 = arith.constant 0 : index
    %get3A_29 = vector.load %arg3[%get3A_27, %get3A_28] : memref<2944x512xf32, #tpu.memory_space<vmem>>, vector<128x512xf32>
    %get3A_30 = arith.constant 2 : index
    %get3A_31 = arith.constant 0 : index
    %get3A_32 = arith.constant 0 : index
    %get3A_33 = vector.load %arg4[%get3A_30, %get3A_31, %get3A_32] : memref<9x512x512xf32, #tpu.memory_space<vmem>>, vector<1x512x512xf32>
    %get3A_34 = vector.shape_cast %get3A_33 : vector<1x512x512xf32> to vector<512x512xf32>
    %dot_general3A_35 = arith.constant dense<0.000000e+00> : vector<128x512xf32>
    %dot_general3A_36 = tpu.matmul %get3A_29, %get3A_34, %dot_general3A_35 {dimension_numbers = #tpu.dot_dimension_numbers<[1], [0], [0], [1], [0, 0, 1, 1], [], []>, transpose_lhs_hint = false} : vector<128x512xf32>, vector<512x512xf32>, vector<128x512xf32> -> vector<128x512xf32>
    %add3A_37 = arith.addf %add3A_24, %dot_general3A_36 : vector<128x512xf32>
    %add3A_38 = arith.constant 56 : i32
    %add3A_39 = arith.addi %mul3A_0, %add3A_38 : i32
    %get3A_40 = arith.index_cast %add3A_39 : i32 to index
    %get3A_41 = arith.constant 0 : index
    %get3A_42 = vector.load %arg1[%get3A_40, %get3A_41] : memref<2944x512xf32, #tpu.memory_space<vmem>>, vector<128x512xf32>
    %get3A_43 = arith.constant 3 : index
    %get3A_44 = arith.constant 0 : index
    %get3A_45 = arith.constant 0 : index
    %get3A_46 = vector.load %arg4[%get3A_43, %get3A_44, %get3A_45] : memref<9x512x512xf32, #tpu.memory_space<vmem>>, vector<1x512x512xf32>
    %get3A_47 = vector.shape_cast %get3A_46 : vector<1x512x512xf32> to vector<512x512xf32>
    %dot_general3A_48 = arith.constant dense<0.000000e+00> : vector<128x512xf32>
    %dot_general3A_49 = tpu.matmul %get3A_42, %get3A_47, %dot_general3A_48 {dimension_numbers = #tpu.dot_dimension_numbers<[1], [0], [0], [1], [0, 0, 1, 1], [], []>, transpose_lhs_hint = false} : vector<128x512xf32>, vector<512x512xf32>, vector<128x512xf32> -> vector<128x512xf32>
    %add3A_50 = arith.addf %add3A_37, %dot_general3A_49 : vector<128x512xf32>
    %add3A_51 = arith.constant 56 : i32
    %add3A_52 = arith.addi %mul3A_0, %add3A_51 : i32
    %get3A_53 = arith.index_cast %add3A_52 : i32 to index
    %get3A_54 = arith.constant 0 : index
    %get3A_55 = vector.load %arg2[%get3A_53, %get3A_54] : memref<2944x512xf32, #tpu.memory_space<vmem>>, vector<128x512xf32>
    %get3A_56 = arith.constant 4 : index
    %get3A_57 = arith.constant 0 : index
    %get3A_58 = arith.constant 0 : index
    %get3A_59 = vector.load %arg4[%get3A_56, %get3A_57, %get3A_58] : memref<9x512x512xf32, #tpu.memory_space<vmem>>, vector<1x512x512xf32>
    %get3A_60 = vector.shape_cast %get3A_59 : vector<1x512x512xf32> to vector<512x512xf32>
    %dot_general3A_61 = arith.constant dense<0.000000e+00> : vector<128x512xf32>
    %dot_general3A_62 = tpu.matmul %get3A_55, %get3A_60, %dot_general3A_61 {dimension_numbers = #tpu.dot_dimension_numbers<[1], [0], [0], [1], [0, 0, 1, 1], [], []>, transpose_lhs_hint = false} : vector<128x512xf32>, vector<512x512xf32>, vector<128x512xf32> -> vector<128x512xf32>
    %add3A_63 = arith.addf %add3A_50, %dot_general3A_62 : vector<128x512xf32>
    %add3A_64 = arith.constant 56 : i32
    %add3A_65 = arith.addi %mul3A_0, %add3A_64 : i32
    %get3A_66 = arith.index_cast %add3A_65 : i32 to index
    %get3A_67 = arith.constant 0 : index
    %get3A_68 = vector.load %arg3[%get3A_66, %get3A_67] : memref<2944x512xf32, #tpu.memory_space<vmem>>, vector<128x512xf32>
    %get3A_69 = arith.constant 5 : index
    %get3A_70 = arith.constant 0 : index
    %get3A_71 = arith.constant 0 : index
    %get3A_72 = vector.load %arg4[%get3A_69, %get3A_70, %get3A_71] : memref<9x512x512xf32, #tpu.memory_space<vmem>>, vector<1x512x512xf32>
    %get3A_73 = vector.shape_cast %get3A_72 : vector<1x512x512xf32> to vector<512x512xf32>
    %dot_general3A_74 = arith.constant dense<0.000000e+00> : vector<128x512xf32>
    %dot_general3A_75 = tpu.matmul %get3A_68, %get3A_73, %dot_general3A_74 {dimension_numbers = #tpu.dot_dimension_numbers<[1], [0], [0], [1], [0, 0, 1, 1], [], []>, transpose_lhs_hint = false} : vector<128x512xf32>, vector<512x512xf32>, vector<128x512xf32> -> vector<128x512xf32>
    %add3A_76 = arith.addf %add3A_63, %dot_general3A_75 : vector<128x512xf32>
    %add3A_77 = arith.constant 112 : i32
    %add3A_78 = arith.addi %mul3A_0, %add3A_77 : i32
    %get3A_79 = arith.index_cast %add3A_78 : i32 to index
    %get3A_80 = arith.constant 0 : index
    %get3A_81 = vector.load %arg1[%get3A_79, %get3A_80] : memref<2944x512xf32, #tpu.memory_space<vmem>>, vector<128x512xf32>
    %get3A_82 = arith.constant 6 : index
    %get3A_83 = arith.constant 0 : index
    %get3A_84 = arith.constant 0 : index
    %get3A_85 = vector.load %arg4[%get3A_82, %get3A_83, %get3A_84] : memref<9x512x512xf32, #tpu.memory_space<vmem>>, vector<1x512x512xf32>
    %get3A_86 = vector.shape_cast %get3A_85 : vector<1x512x512xf32> to vector<512x512xf32>
    %dot_general3A_87 = arith.constant dense<0.000000e+00> : vector<128x512xf32>
    %dot_general3A_88 = tpu.matmul %get3A_81, %get3A_86, %dot_general3A_87 {dimension_numbers = #tpu.dot_dimension_numbers<[1], [0], [0], [1], [0, 0, 1, 1], [], []>, transpose_lhs_hint = false} : vector<128x512xf32>, vector<512x512xf32>, vector<128x512xf32> -> vector<128x512xf32>
    %add3A_89 = arith.addf %add3A_76, %dot_general3A_88 : vector<128x512xf32>
    %add3A_90 = arith.constant 112 : i32
    %add3A_91 = arith.addi %mul3A_0, %add3A_90 : i32
    %get3A_92 = arith.index_cast %add3A_91 : i32 to index
    %get3A_93 = arith.constant 0 : index
    %get3A_94 = vector.load %arg2[%get3A_92, %get3A_93] : memref<2944x512xf32, #tpu.memory_space<vmem>>, vector<128x512xf32>
    %get3A_95 = arith.constant 7 : index
    %get3A_96 = arith.constant 0 : index
    %get3A_97 = arith.constant 0 : index
    %get3A_98 = vector.load %arg4[%get3A_95, %get3A_96, %get3A_97] : memref<9x512x512xf32, #tpu.memory_space<vmem>>, vector<1x512x512xf32>
    %get3A_99 = vector.shape_cast %get3A_98 : vector<1x512x512xf32> to vector<512x512xf32>
    %dot_general3A_100 = arith.constant dense<0.000000e+00> : vector<128x512xf32>
    %dot_general3A_101 = tpu.matmul %get3A_94, %get3A_99, %dot_general3A_100 {dimension_numbers = #tpu.dot_dimension_numbers<[1], [0], [0], [1], [0, 0, 1, 1], [], []>, transpose_lhs_hint = false} : vector<128x512xf32>, vector<512x512xf32>, vector<128x512xf32> -> vector<128x512xf32>
    %add3A_102 = arith.addf %add3A_89, %dot_general3A_101 : vector<128x512xf32>
    %add3A_103 = arith.constant 112 : i32
    %add3A_104 = arith.addi %mul3A_0, %add3A_103 : i32
    %get3A_105 = arith.index_cast %add3A_104 : i32 to index
    %get3A_106 = arith.constant 0 : index
    %get3A_107 = vector.load %arg3[%get3A_105, %get3A_106] : memref<2944x512xf32, #tpu.memory_space<vmem>>, vector<128x512xf32>
    %get3A_108 = arith.constant 8 : index
    %get3A_109 = arith.constant 0 : index
    %get3A_110 = arith.constant 0 : index
    %get3A_111 = vector.load %arg4[%get3A_108, %get3A_109, %get3A_110] : memref<9x512x512xf32, #tpu.memory_space<vmem>>, vector<1x512x512xf32>
    %get3A_112 = vector.shape_cast %get3A_111 : vector<1x512x512xf32> to vector<512x512xf32>
    %dot_general3A_113 = arith.constant dense<0.000000e+00> : vector<128x512xf32>
    %dot_general3A_114 = tpu.matmul %get3A_107, %get3A_112, %dot_general3A_113 {dimension_numbers = #tpu.dot_dimension_numbers<[1], [0], [0], [1], [0, 0, 1, 1], [], []>, transpose_lhs_hint = false} : vector<128x512xf32>, vector<512x512xf32>, vector<128x512xf32> -> vector<128x512xf32>
    %add3A_115 = arith.addf %add3A_102, %dot_general3A_114 : vector<128x512xf32>
    %get3A_116 = arith.constant 0 : index
    %get3A_117 = arith.constant 0 : index
    %get3A_118 = vector.load %arg5[%get3A_116, %get3A_117] : memref<1x512xf32, #tpu.memory_space<vmem>>, vector<1x512xf32>
    %get3A_119 = vector.shape_cast %get3A_118 : vector<1x512xf32> to vector<512xf32>
    %broadcast_in_dim3A_120 = vector.shape_cast %get3A_119 : vector<512xf32> to vector<1x512xf32>
    %add3A_121 = vector.broadcast %broadcast_in_dim3A_120 : vector<1x512xf32> to vector<128x512xf32>
    %add3A_122 = arith.addf %add3A_115, %add3A_121 : vector<128x512xf32>
    %max3A = arith.constant 0.000000e+00 : f32
    %max3A_123 = vector.broadcast %max3A : f32 to vector<128x512xf32>
    %max3A_124 = arith.maximumf %add3A_122, %max3A_123 : vector<128x512xf32>
    %get3A_125 = arith.constant 0 : index
    %get3A_126 = arith.constant 0 : index
    %get3A_127 = vector.load %arg6[%get3A_125, %get3A_126] : memref<512x128xf32, #tpu.memory_space<vmem>>, vector<512x128xf32>
    %dot_general3A_128 = arith.constant dense<0.000000e+00> : vector<128x128xf32>
    %dot_general3A_129 = tpu.matmul %max3A_124, %get3A_127, %dot_general3A_128 {dimension_numbers = #tpu.dot_dimension_numbers<[1], [0], [0], [1], [0, 0, 1, 1], [], []>, transpose_lhs_hint = false} : vector<128x512xf32>, vector<512x128xf32>, vector<128x128xf32> -> vector<128x128xf32>
    %get3A_130 = arith.constant 0 : index
    %get3A_131 = arith.constant 0 : index
    %get3A_132 = vector.load %arg7[%get3A_130, %get3A_131] : memref<1x128xf32, #tpu.memory_space<vmem>>, vector<1x128xf32>
    %get3A_133 = vector.shape_cast %get3A_132 : vector<1x128xf32> to vector<128xf32>
    %broadcast_in_dim3A_134 = vector.shape_cast %get3A_133 : vector<128xf32> to vector<1x128xf32>
    %add3A_135 = vector.broadcast %broadcast_in_dim3A_134 : vector<1x128xf32> to vector<128x128xf32>
    %add3A_136 = arith.addf %dot_general3A_129, %add3A_135 : vector<128x128xf32>
    %swap3A = arith.constant 0 : index
    %swap3A_137 = arith.constant 0 : index
    %swap3A_138 = vector.load %arg8[%swap3A, %swap3A_137] : memref<128x128xf32, #tpu.memory_space<vmem>>, vector<128x128xf32>
    tpu.vector_store %arg8[%swap3A, %swap3A_137], %add3A_136 {strides = array<i32>} : memref<128x128xf32, #tpu.memory_space<vmem>>, vector<128x128xf32>,
    return
  }
  func.func @transform_0(%arg0: i32) -> (i32, i32) {
    %c0_i32 = arith.constant 0 : i32
    %c0_i32_0 = arith.constant 0 : i32
    %c0_i32_1 = arith.constant 0 : i32
    return %c0_i32, %c0_i32_0 : i32, i32
  }
  func.func @transform_1(%arg0: i32) -> (i32, i32) {
    %c0_i32 = arith.constant 0 : i32
    %c0_i32_0 = arith.constant 0 : i32
    %c0_i32_1 = arith.constant 0 : i32
    return %c0_i32, %c0_i32_0 : i32, i32
  }
  func.func @transform_2(%arg0: i32) -> (i32, i32) {
    %c0_i32 = arith.constant 0 : i32
    %c0_i32_0 = arith.constant 0 : i32
    %c0_i32_1 = arith.constant 0 : i32
    return %c0_i32, %c0_i32_0 : i32, i32
  }
  func.func @transform_3(%arg0: i32) -> (i32, i32, i32) {
    %c0_i32 = arith.constant 0 : i32
    %c0_i32_0 = arith.constant 0 : i32
    %c0_i32_1 = arith.constant 0 : i32
    %c0_i32_2 = arith.constant 0 : i32
    return %c0_i32, %c0_i32_0, %c0_i32_1 : i32, i32, i32
  }
  func.func @transform_4(%arg0: i32) -> (i32, i32) {
    %c0_i32 = arith.constant 0 : i32
    %c0_i32_0 = arith.constant 0 : i32
    %c0_i32_1 = arith.constant 0 : i32
    return %c0_i32, %c0_i32_0 : i32, i32
  }
  func.func @transform_5(%arg0: i32) -> (i32, i32) {
    %c0_i32 = arith.constant 0 : i32
    %c0_i32_0 = arith.constant 0 : i32
    %c0_i32_1 = arith.constant 0 : i32
    return %c0_i32, %c0_i32_0 : i32, i32
  }
  func.func @transform_6(%arg0: i32) -> (i32, i32) {
    %c0_i32 = arith.constant 0 : i32
    %c0_i32_0 = arith.constant 0 : i32
    %c0_i32_1 = arith.constant 0 : i32
    return %c0_i32, %c0_i32_0 : i32, i32
  }
  func.func @transform_7(%arg0: i32) -> (i32, i32) {
    %c0_i32 = arith.constant 0 : i32
    %c0_i32_0 = arith.constant 0 : i32
    return %arg0, %c0_i32 : i32, i32
  }
}

module attributes {stable_mosaic.version = 14 : i64} {
  func.func @_decode_body(%arg0: i32, %arg1: memref<128x8xf32, #tpu.memory_space<vmem>>, %arg2: memref<128x8xf32, #tpu.memory_space<vmem>>, %arg3: memref<128x128xf32, #tpu.memory_space<vmem>>) attributes {dimension_semantics = [#tpu.dimension_semantics<arbitrary>], iteration_bounds = array<i64: 180>, scalar_prefetch = 0 : i64, scratch_operands = 0 : i64, tpu.core_type = #tpu.core_type<tc>, window_params = [{transform_indices = @transform_0, window_bounds = array<i64: 128, 8>}, {transform_indices = @transform_1, window_bounds = array<i64: 128, 8>}, {transform_indices = @transform_2, window_bounds = array<i64: 128, 128>}]} {
    %get3A = arith.constant 0 : index
    %get3A_0 = arith.constant 0 : index
    %get3A_1 = vector.load %arg1[%get3A, %get3A_0] : memref<128x8xf32, #tpu.memory_space<vmem>>, vector<128x8xf32>
    %get3A_2 = arith.constant 0 : index
    %get3A_3 = arith.constant 0 : index
    %get3A_4 = vector.load %arg2[%get3A_2, %get3A_3] : memref<128x8xf32, #tpu.memory_space<vmem>>, vector<128x8xf32>
    %slice3A = vector.extract_strided_slice %get3A_1 {offsets = [0, 0], sizes = [128, 1], strides = [1, 1]} : vector<128x8xf32> to vector<128x1xf32>
    %slice3A_5 = vector.extract_strided_slice %get3A_1 {offsets = [0, 1], sizes = [128, 1], strides = [1, 1]} : vector<128x8xf32> to vector<128x1xf32>
    %slice3A_6 = vector.extract_strided_slice %get3A_1 {offsets = [0, 2], sizes = [128, 1], strides = [1, 1]} : vector<128x8xf32> to vector<128x1xf32>
    %slice3A_7 = vector.extract_strided_slice %get3A_1 {offsets = [0, 3], sizes = [128, 1], strides = [1, 1]} : vector<128x8xf32> to vector<128x1xf32>
    %slice3A_8 = vector.extract_strided_slice %get3A_1 {offsets = [0, 4], sizes = [128, 1], strides = [1, 1]} : vector<128x8xf32> to vector<128x1xf32>
    %slice3A_9 = vector.extract_strided_slice %get3A_4 {offsets = [0, 0], sizes = [128, 1], strides = [1, 1]} : vector<128x8xf32> to vector<128x1xf32>
    %slice3A_10 = vector.extract_strided_slice %get3A_4 {offsets = [0, 1], sizes = [128, 1], strides = [1, 1]} : vector<128x8xf32> to vector<128x1xf32>
    %slice3A_11 = vector.extract_strided_slice %get3A_4 {offsets = [0, 2], sizes = [128, 1], strides = [1, 1]} : vector<128x8xf32> to vector<128x1xf32>
    %slice3A_12 = vector.extract_strided_slice %get3A_4 {offsets = [0, 3], sizes = [128, 1], strides = [1, 1]} : vector<128x8xf32> to vector<128x1xf32>
    %mul3A = arith.mulf %slice3A, %slice3A_9 : vector<128x1xf32>
    %add3A = arith.addf %mul3A, %slice3A_11 : vector<128x1xf32>
    %mul3A_13 = arith.mulf %slice3A_5, %slice3A_10 : vector<128x1xf32>
    %add3A_14 = arith.addf %mul3A_13, %slice3A_12 : vector<128x1xf32>
    %exp3A = math.exp %slice3A_6 : vector<128x1xf32>
    %mul3A_15 = arith.mulf %exp3A, %slice3A_9 : vector<128x1xf32>
    %exp3A_16 = math.exp %slice3A_7 : vector<128x1xf32>
    %mul3A_17 = arith.mulf %exp3A_16, %slice3A_10 : vector<128x1xf32>
    %mul3A_18 = arith.constant 5.000000e-01 : f32
    %mul3A_19 = vector.broadcast %mul3A_18 : f32 to vector<128x1xf32>
    %mul3A_20 = arith.mulf %mul3A_19, %mul3A_15 : vector<128x1xf32>
    %sub3A = arith.subf %add3A, %mul3A_20 : vector<128x1xf32>
    %jit3A = arith.constant 0.000000e+00 : f32
    %jit3A_21 = arith.constant 8.000000e+02 : f32
    %max3A = vector.broadcast %jit3A : f32 to vector<128x1xf32>
    %max3A_22 = arith.maximumf %max3A, %sub3A : vector<128x1xf32>
    %min3A = vector.broadcast %jit3A_21 : f32 to vector<128x1xf32>
    %min3A_23 = arith.minimumf %min3A, %max3A_22 : vector<128x1xf32>
    %mul3A_24 = arith.constant 5.000000e-01 : f32
    %mul3A_25 = vector.broadcast %mul3A_24 : f32 to vector<128x1xf32>
    %mul3A_26 = arith.mulf %mul3A_25, %mul3A_17 : vector<128x1xf32>
    %sub3A_27 = arith.subf %add3A_14, %mul3A_26 : vector<128x1xf32>
    %jit3A_28 = arith.constant 0.000000e+00 : f32
    %jit3A_29 = arith.constant 8.000000e+02 : f32
    %max3A_30 = vector.broadcast %jit3A_28 : f32 to vector<128x1xf32>
    %max3A_31 = arith.maximumf %max3A_30, %sub3A_27 : vector<128x1xf32>
    %min3A_32 = vector.broadcast %jit3A_29 : f32 to vector<128x1xf32>
    %min3A_33 = arith.minimumf %min3A_32, %max3A_31 : vector<128x1xf32>
    %mul3A_34 = arith.constant 5.000000e-01 : f32
    %mul3A_35 = vector.broadcast %mul3A_34 : f32 to vector<128x1xf32>
    %mul3A_36 = arith.mulf %mul3A_35, %mul3A_15 : vector<128x1xf32>
    %add3A_37 = arith.addf %add3A, %mul3A_36 : vector<128x1xf32>
    %jit3A_38 = arith.constant 0.000000e+00 : f32
    %jit3A_39 = arith.constant 8.000000e+02 : f32
    %max3A_40 = vector.broadcast %jit3A_38 : f32 to vector<128x1xf32>
    %max3A_41 = arith.maximumf %max3A_40, %add3A_37 : vector<128x1xf32>
    %min3A_42 = vector.broadcast %jit3A_39 : f32 to vector<128x1xf32>
    %min3A_43 = arith.minimumf %min3A_42, %max3A_41 : vector<128x1xf32>
    %mul3A_44 = arith.constant 5.000000e-01 : f32
    %mul3A_45 = vector.broadcast %mul3A_44 : f32 to vector<128x1xf32>
    %mul3A_46 = arith.mulf %mul3A_45, %mul3A_17 : vector<128x1xf32>
    %add3A_47 = arith.addf %add3A_14, %mul3A_46 : vector<128x1xf32>
    %jit3A_48 = arith.constant 0.000000e+00 : f32
    %jit3A_49 = arith.constant 8.000000e+02 : f32
    %max3A_50 = vector.broadcast %jit3A_48 : f32 to vector<128x1xf32>
    %max3A_51 = arith.maximumf %max3A_50, %add3A_47 : vector<128x1xf32>
    %min3A_52 = vector.broadcast %jit3A_49 : f32 to vector<128x1xf32>
    %min3A_53 = arith.minimumf %min3A_52, %max3A_51 : vector<128x1xf32>
    %sub3A_54 = arith.subf %min3A_43, %min3A_23 : vector<128x1xf32>
    %sub3A_55 = arith.subf %min3A_53, %min3A_33 : vector<128x1xf32>
    %ge3A = arith.constant 1.600000e+01 : f32
    %ge3A_56 = vector.broadcast %ge3A : f32 to vector<128x1xf32>
    %ge3A_57 = arith.cmpf oge, %sub3A_54, %ge3A_56 : vector<128x1xf32>
    %ge3A_58 = arith.constant 1.600000e+01 : f32
    %ge3A_59 = vector.broadcast %ge3A_58 : f32 to vector<128x1xf32>
    %ge3A_60 = arith.cmpf oge, %sub3A_55, %ge3A_59 : vector<128x1xf32>
    %and3A = arith.andi %ge3A_57, %ge3A_60 : vector<128x1xi1>
    %convert_element_type3A = arith.extui %and3A : vector<128x1xi1> to vector<128x1xi32>
    %convert_element_type3A_61 = arith.sitofp %convert_element_type3A : vector<128x1xi32> to vector<128x1xf32>
    %mul3A_62 = arith.mulf %sub3A_54, %sub3A_55 : vector<128x1xf32>
    %broadcast_in_dim3A = arith.constant 0.000000e+00 : f32
    %broadcast_in_dim3A_63 = vector.broadcast %broadcast_in_dim3A : f32 to vector<128x1xf32>
    %concatenate3A = tpu.concatenate %min3A_23, %min3A_33, %min3A_43, %min3A_53, %mul3A_62, %convert_element_type3A_61, %slice3A_8, %broadcast_in_dim3A_63 in 1 : vector<128x1xf32>, vector<128x1xf32>, vector<128x1xf32>, vector<128x1xf32>, vector<128x1xf32>, vector<128x1xf32>, vector<128x1xf32>, vector<128x1xf32> -> vector<128x8xf32>
    %broadcast_in_dim3A_64 = arith.constant 0.000000e+00 : f32
    %broadcast_in_dim3A_65 = vector.broadcast %broadcast_in_dim3A_64 : f32 to vector<128x120xf32>
    %concatenate3A_66 = tpu.concatenate %concatenate3A, %broadcast_in_dim3A_65 in 1 : vector<128x8xf32>, vector<128x120xf32> -> vector<128x128xf32>
    %swap3A = arith.constant 0 : index
    %swap3A_67 = arith.constant 0 : index
    %swap3A_68 = vector.load %arg3[%swap3A, %swap3A_67] : memref<128x128xf32, #tpu.memory_space<vmem>>, vector<128x128xf32>
    tpu.vector_store %arg3[%swap3A, %swap3A_67], %concatenate3A_66 {strides = array<i32>} : memref<128x128xf32, #tpu.memory_space<vmem>>, vector<128x128xf32>,
    return
  }
  func.func @transform_0(%arg0: i32) -> (i32, i32) {
    %c0_i32 = arith.constant 0 : i32
    %c0_i32_0 = arith.constant 0 : i32
    return %arg0, %c0_i32 : i32, i32
  }
  func.func @transform_1(%arg0: i32) -> (i32, i32) {
    %c0_i32 = arith.constant 0 : i32
    %c0_i32_0 = arith.constant 0 : i32
    return %arg0, %c0_i32 : i32, i32
  }
  func.func @transform_2(%arg0: i32) -> (i32, i32) {
    %c0_i32 = arith.constant 0 : i32
    %c0_i32_0 = arith.constant 0 : i32
    return %arg0, %c0_i32 : i32, i32
  }
}

module attributes {stable_mosaic.version = 14 : i64} {
  func.func @_rank_body(%arg0: i32, %arg1: memref<23040x8xf32, #tpu.memory_space<vmem>>, %arg2: memref<180x1x128xf32, #tpu.memory_space<vmem>>, %arg3: memref<20x1x1152xf32, #tpu.memory_space<vmem>>, %arg4: memref<128x1xf32, #tpu.memory_space<vmem>>, %arg5: memref<1x1x2xf32, #tpu.memory_space<smem>>) attributes {dimension_semantics = [#tpu.dimension_semantics<arbitrary>], iteration_bounds = array<i64: 180>, scalar_prefetch = 0 : i64, scratch_operands = 0 : i64, tpu.core_type = #tpu.core_type<tc>, window_params = [{pipeline_mode = #tpu.pipeline_mode<synchronous>, transform_indices = @transform_0, window_bounds = array<i64: 23040, 8>}, {pipeline_mode = #tpu.pipeline_mode<synchronous>, transform_indices = @transform_1, window_bounds = array<i64: 180, 1, 128>}, {pipeline_mode = #tpu.pipeline_mode<synchronous>, transform_indices = @transform_2, window_bounds = array<i64: 20, 1, 1152>}, {transform_indices = @transform_3, window_bounds = array<i64: 128, 1>}, {transform_indices = @transform_4, window_bounds = array<i64: 1, 1, 2>}]} {
    %mul3A = arith.constant 128 : i32
    %mul3A_0 = arith.muli %arg0, %mul3A : i32
    %get3A = arith.index_cast %mul3A_0 : i32 to index
    %get3A_1 = arith.constant 4 : index
    %get3A_2 = vector.load %arg1[%get3A, %get3A_1] : memref<23040x8xf32, #tpu.memory_space<vmem>>, vector<128x1xf32>
    %broadcast_in_dim3A = arith.constant 1.000000e+00 : f32
    %broadcast_in_dim3A_3 = vector.broadcast %broadcast_in_dim3A : f32 to vector<1152x1xf32>
    %broadcast_in_dim3A_4 = arith.constant 1.000000e+00 : f32
    %broadcast_in_dim3A_5 = vector.broadcast %broadcast_in_dim3A_4 : f32 to vector<128x1xf32>
    %jit3A = arith.constant 9 : i32
    %div3A = arith.divsi %arg0, %jit3A : i32
    %sign3A = arith.constant 0 : i32
    %sign3A_6 = arith.cmpi sgt, %arg0, %sign3A : i32
    %sign3A_7 = arith.extui %sign3A_6 : i1 to i32
    %sign3A_8 = arith.constant 0 : i32
    %sign3A_9 = arith.cmpi slt, %arg0, %sign3A_8 : i32
    %sign3A_10 = arith.extui %sign3A_9 : i1 to i32
    %sign3A_11 = arith.subi %sign3A_7, %sign3A_10 : i32
    %sign3A_12 = arith.constant 0 : i32
    %sign3A_13 = arith.cmpi sgt, %jit3A, %sign3A_12 : i32
    %sign3A_14 = arith.extui %sign3A_13 : i1 to i32
    %sign3A_15 = arith.constant 0 : i32
    %sign3A_16 = arith.cmpi slt, %jit3A, %sign3A_15 : i32
    %sign3A_17 = arith.extui %sign3A_16 : i1 to i32
    %sign3A_18 = arith.subi %sign3A_14, %sign3A_17 : i32
    %ne3A = arith.cmpi ne, %sign3A_11, %sign3A_18 : i32
    %rem3A = arith.remsi %arg0, %jit3A : i32
    %ne3A_19 = arith.constant 0 : i32
    %ne3A_20 = arith.cmpi ne, %rem3A, %ne3A_19 : i32
    %and3A = arith.andi %ne3A, %ne3A_20 : i1
    %sub3A = arith.constant 1 : i32
    %sub3A_21 = arith.subi %div3A, %sub3A : i32
    %select_n3A = arith.select %and3A, %sub3A_21, %div3A : i32
    %broadcast_in_dim3A_22 = arith.constant 0.000000e+00 : f32
    %broadcast_in_dim3A_23 = vector.broadcast %broadcast_in_dim3A_22 : f32 to vector<128x1xf32>
    %while3A = arith.constant 0 : i32
    %while3A_24 = arith.subi %select_n3A, %while3A : i32
    %while3A_25 = arith.addi %while3A, %while3A_24 : i32
    %while3A_26 = arith.constant 1 : i32
    %while3A_27 = arith.divsi %while3A_24, %while3A_26 : i32
    %while3A_28 = arith.muli %while3A_27, %while3A_26 : i32
    %while3A_29 = arith.addi %while3A, %while3A_28 : i32
    %while3A_30 = arith.constant 1 : i32
    %while3A_31 = scf.for %while3A_106 = %while3A to %while3A_29 step %while3A_30 iter_args(%while3A_107 = %broadcast_in_dim3A_23) -> (vector<128x1xf32>)  : i32 {
      %get3A_108 = arith.index_cast %while3A_106 : i32 to index
      %get3A_109 = arith.constant 0 : index
      %get3A_110 = arith.constant 0 : index
      %get3A_111 = vector.load %arg3[%get3A_108, %get3A_109, %get3A_110] : memref<20x1x1152xf32, #tpu.memory_space<vmem>>, vector<1x1x1152xf32>
      %get3A_112 = vector.shape_cast %get3A_111 : vector<1x1x1152xf32> to vector<1x1152xf32>
      %ge3A = vector.broadcast %get3A_112 : vector<1x1152xf32> to vector<128x1152xf32>
      %ge3A_113 = vector.broadcast %get3A_2 : vector<128x1xf32> to vector<128x1152xf32>
      %ge3A_114 = arith.cmpf oge, %ge3A, %ge3A_113 : vector<128x1152xf32>
      %convert_element_type3A_115 = arith.extui %ge3A_114 : vector<128x1152xi1> to vector<128x1152xi32>
      %convert_element_type3A_116 = arith.sitofp %convert_element_type3A_115 : vector<128x1152xi32> to vector<128x1152xf32>
      %dot_general3A_117 = arith.constant dense<0.000000e+00> : vector<128x1xf32>
      %dot_general3A_118 = tpu.matmul %convert_element_type3A_116, %broadcast_in_dim3A_3, %dot_general3A_117 {dimension_numbers = #tpu.dot_dimension_numbers<[1], [0], [0], [1], [0, 0, 1, 1], [], []>, transpose_lhs_hint = false} : vector<128x1152xf32>, vector<1152x1xf32>, vector<128x1xf32> -> vector<128x1xf32>
      %add3A_119 = arith.addf %while3A_107, %dot_general3A_118 : vector<128x1xf32>
      scf.yield %add3A_119 : vector<128x1xf32>
    }
    %while3A_32 = arith.constant 1 : i32
    %while3A_33 = scf.for %while3A_106 = %while3A_29 to %while3A_25 step %while3A_32 iter_args(%while3A_107 = %while3A_31) -> (vector<128x1xf32>)  : i32 {
      %get3A_108 = arith.index_cast %while3A_106 : i32 to index
      %get3A_109 = arith.constant 0 : index
      %get3A_110 = arith.constant 0 : index
      %get3A_111 = vector.load %arg3[%get3A_108, %get3A_109, %get3A_110] : memref<20x1x1152xf32, #tpu.memory_space<vmem>>, vector<1x1x1152xf32>
      %get3A_112 = vector.shape_cast %get3A_111 : vector<1x1x1152xf32> to vector<1x1152xf32>
      %ge3A = vector.broadcast %get3A_112 : vector<1x1152xf32> to vector<128x1152xf32>
      %ge3A_113 = vector.broadcast %get3A_2 : vector<128x1xf32> to vector<128x1152xf32>
      %ge3A_114 = arith.cmpf oge, %ge3A, %ge3A_113 : vector<128x1152xf32>
      %convert_element_type3A_115 = arith.extui %ge3A_114 : vector<128x1152xi1> to vector<128x1152xi32>
      %convert_element_type3A_116 = arith.sitofp %convert_element_type3A_115 : vector<128x1152xi32> to vector<128x1152xf32>
      %dot_general3A_117 = arith.constant dense<0.000000e+00> : vector<128x1xf32>
      %dot_general3A_118 = tpu.matmul %convert_element_type3A_116, %broadcast_in_dim3A_3, %dot_general3A_117 {dimension_numbers = #tpu.dot_dimension_numbers<[1], [0], [0], [1], [0, 0, 1, 1], [], []>, transpose_lhs_hint = false} : vector<128x1152xf32>, vector<1152x1xf32>, vector<128x1xf32> -> vector<128x1xf32>
      %add3A_119 = arith.addf %while3A_107, %dot_general3A_118 : vector<128x1xf32>
      scf.yield %add3A_119 : vector<128x1xf32>
    }
    %mul3A_34 = arith.constant 9 : i32
    %mul3A_35 = arith.muli %mul3A_34, %select_n3A : i32
    %while3A_36 = arith.subi %arg0, %mul3A_35 : i32
    %while3A_37 = arith.addi %mul3A_35, %while3A_36 : i32
    %while3A_38 = arith.constant 1 : i32
    %while3A_39 = arith.divsi %while3A_36, %while3A_38 : i32
    %while3A_40 = arith.muli %while3A_39, %while3A_38 : i32
    %while3A_41 = arith.addi %mul3A_35, %while3A_40 : i32
    %while3A_42 = arith.constant 1 : i32
    %while3A_43 = scf.for %while3A_106 = %mul3A_35 to %while3A_41 step %while3A_42 iter_args(%while3A_107 = %while3A_33) -> (vector<128x1xf32>)  : i32 {
      %get3A_108 = arith.index_cast %while3A_106 : i32 to index
      %get3A_109 = arith.constant 0 : index
      %get3A_110 = arith.constant 0 : index
      %get3A_111 = vector.load %arg2[%get3A_108, %get3A_109, %get3A_110] : memref<180x1x128xf32, #tpu.memory_space<vmem>>, vector<1x1x128xf32>
      %get3A_112 = vector.shape_cast %get3A_111 : vector<1x1x128xf32> to vector<1x128xf32>
      %ge3A = vector.broadcast %get3A_112 : vector<1x128xf32> to vector<128x128xf32>
      %ge3A_113 = vector.broadcast %get3A_2 : vector<128x1xf32> to vector<128x128xf32>
      %ge3A_114 = arith.cmpf oge, %ge3A, %ge3A_113 : vector<128x128xf32>
      %convert_element_type3A_115 = arith.extui %ge3A_114 : vector<128x128xi1> to vector<128x128xi32>
      %convert_element_type3A_116 = arith.sitofp %convert_element_type3A_115 : vector<128x128xi32> to vector<128x128xf32>
      %dot_general3A_117 = arith.constant dense<0.000000e+00> : vector<128x1xf32>
      %dot_general3A_118 = tpu.matmul %convert_element_type3A_116, %broadcast_in_dim3A_5, %dot_general3A_117 {dimension_numbers = #tpu.dot_dimension_numbers<[1], [0], [0], [1], [0, 0, 1, 1], [], []>, transpose_lhs_hint = false} : vector<128x128xf32>, vector<128x1xf32>, vector<128x1xf32> -> vector<128x1xf32>
      %add3A_119 = arith.addf %while3A_107, %dot_general3A_118 : vector<128x1xf32>
      scf.yield %add3A_119 : vector<128x1xf32>
    }
    %while3A_44 = arith.constant 1 : i32
    %while3A_45 = scf.for %while3A_106 = %while3A_41 to %while3A_37 step %while3A_44 iter_args(%while3A_107 = %while3A_43) -> (vector<128x1xf32>)  : i32 {
      %get3A_108 = arith.index_cast %while3A_106 : i32 to index
      %get3A_109 = arith.constant 0 : index
      %get3A_110 = arith.constant 0 : index
      %get3A_111 = vector.load %arg2[%get3A_108, %get3A_109, %get3A_110] : memref<180x1x128xf32, #tpu.memory_space<vmem>>, vector<1x1x128xf32>
      %get3A_112 = vector.shape_cast %get3A_111 : vector<1x1x128xf32> to vector<1x128xf32>
      %ge3A = vector.broadcast %get3A_112 : vector<1x128xf32> to vector<128x128xf32>
      %ge3A_113 = vector.broadcast %get3A_2 : vector<128x1xf32> to vector<128x128xf32>
      %ge3A_114 = arith.cmpf oge, %ge3A, %ge3A_113 : vector<128x128xf32>
      %convert_element_type3A_115 = arith.extui %ge3A_114 : vector<128x128xi1> to vector<128x128xi32>
      %convert_element_type3A_116 = arith.sitofp %convert_element_type3A_115 : vector<128x128xi32> to vector<128x128xf32>
      %dot_general3A_117 = arith.constant dense<0.000000e+00> : vector<128x1xf32>
      %dot_general3A_118 = tpu.matmul %convert_element_type3A_116, %broadcast_in_dim3A_5, %dot_general3A_117 {dimension_numbers = #tpu.dot_dimension_numbers<[1], [0], [0], [1], [0, 0, 1, 1], [], []>, transpose_lhs_hint = false} : vector<128x128xf32>, vector<128x1xf32>, vector<128x1xf32> -> vector<128x1xf32>
      %add3A_119 = arith.addf %while3A_107, %dot_general3A_118 : vector<128x1xf32>
      scf.yield %add3A_119 : vector<128x1xf32>
    }
    %get3A_46 = arith.index_cast %arg0 : i32 to index
    %get3A_47 = arith.constant 0 : index
    %get3A_48 = arith.constant 0 : index
    %get3A_49 = vector.load %arg2[%get3A_46, %get3A_47, %get3A_48] : memref<180x1x128xf32, #tpu.memory_space<vmem>>, vector<1x1x128xf32>
    %get3A_50 = vector.shape_cast %get3A_49 : vector<1x1x128xf32> to vector<1x128xf32>
    %iota3A = tpu.iota {dimensions = array<i32: 0>} : vector<128x128xi32>
    %iota3A_51 = tpu.iota {dimensions = array<i32: 1>} : vector<128x128xi32>
    %gt3A = vector.broadcast %get3A_50 : vector<1x128xf32> to vector<128x128xf32>
    %gt3A_52 = vector.broadcast %get3A_2 : vector<128x1xf32> to vector<128x128xf32>
    %gt3A_53 = arith.cmpf ogt, %gt3A, %gt3A_52 : vector<128x128xf32>
    %eq3A = vector.broadcast %get3A_50 : vector<1x128xf32> to vector<128x128xf32>
    %eq3A_54 = vector.broadcast %get3A_2 : vector<128x1xf32> to vector<128x128xf32>
    %eq3A_55 = arith.cmpf oeq, %eq3A, %eq3A_54 : vector<128x128xf32>
    %lt3A = arith.cmpi slt, %iota3A_51, %iota3A : vector<128x128xi32>
    %and3A_56 = arith.andi %eq3A_55, %lt3A : vector<128x128xi1>
    %or3A = arith.ori %gt3A_53, %and3A_56 : vector<128x128xi1>
    %convert_element_type3A = arith.extui %or3A : vector<128x128xi1> to vector<128x128xi32>
    %convert_element_type3A_57 = arith.sitofp %convert_element_type3A : vector<128x128xi32> to vector<128x128xf32>
    %dot_general3A = arith.constant dense<0.000000e+00> : vector<128x1xf32>
    %dot_general3A_58 = tpu.matmul %convert_element_type3A_57, %broadcast_in_dim3A_5, %dot_general3A {dimension_numbers = #tpu.dot_dimension_numbers<[1], [0], [0], [1], [0, 0, 1, 1], [], []>, transpose_lhs_hint = false} : vector<128x128xf32>, vector<128x1xf32>, vector<128x1xf32> -> vector<128x1xf32>
    %add3A = arith.addf %while3A_45, %dot_general3A_58 : vector<128x1xf32>
    %add3A_59 = arith.constant 1 : i32
    %add3A_60 = arith.addi %arg0, %add3A_59 : i32
    %mul3A_61 = arith.constant 9 : i32
    %mul3A_62 = arith.muli %mul3A_61, %select_n3A : i32
    %add3A_63 = arith.constant 9 : i32
    %add3A_64 = arith.addi %mul3A_62, %add3A_63 : i32
    %while3A_65 = arith.subi %add3A_64, %add3A_60 : i32
    %while3A_66 = arith.addi %add3A_60, %while3A_65 : i32
    %while3A_67 = arith.constant 1 : i32
    %while3A_68 = arith.divsi %while3A_65, %while3A_67 : i32
    %while3A_69 = arith.muli %while3A_68, %while3A_67 : i32
    %while3A_70 = arith.addi %add3A_60, %while3A_69 : i32
    %while3A_71 = arith.constant 1 : i32
    %while3A_72 = scf.for %while3A_106 = %add3A_60 to %while3A_70 step %while3A_71 iter_args(%while3A_107 = %add3A) -> (vector<128x1xf32>)  : i32 {
      %get3A_108 = arith.index_cast %while3A_106 : i32 to index
      %get3A_109 = arith.constant 0 : index
      %get3A_110 = arith.constant 0 : index
      %get3A_111 = vector.load %arg2[%get3A_108, %get3A_109, %get3A_110] : memref<180x1x128xf32, #tpu.memory_space<vmem>>, vector<1x1x128xf32>
      %get3A_112 = vector.shape_cast %get3A_111 : vector<1x1x128xf32> to vector<1x128xf32>
      %gt3A_113 = vector.broadcast %get3A_112 : vector<1x128xf32> to vector<128x128xf32>
      %gt3A_114 = vector.broadcast %get3A_2 : vector<128x1xf32> to vector<128x128xf32>
      %gt3A_115 = arith.cmpf ogt, %gt3A_113, %gt3A_114 : vector<128x128xf32>
      %convert_element_type3A_116 = arith.extui %gt3A_115 : vector<128x128xi1> to vector<128x128xi32>
      %convert_element_type3A_117 = arith.sitofp %convert_element_type3A_116 : vector<128x128xi32> to vector<128x128xf32>
      %dot_general3A_118 = arith.constant dense<0.000000e+00> : vector<128x1xf32>
      %dot_general3A_119 = tpu.matmul %convert_element_type3A_117, %broadcast_in_dim3A_5, %dot_general3A_118 {dimension_numbers = #tpu.dot_dimension_numbers<[1], [0], [0], [1], [0, 0, 1, 1], [], []>, transpose_lhs_hint = false} : vector<128x128xf32>, vector<128x1xf32>, vector<128x1xf32> -> vector<128x1xf32>
      %add3A_120 = arith.addf %while3A_107, %dot_general3A_119 : vector<128x1xf32>
      scf.yield %add3A_120 : vector<128x1xf32>
    }
    %while3A_73 = arith.constant 1 : i32
    %while3A_74 = scf.for %while3A_106 = %while3A_70 to %while3A_66 step %while3A_73 iter_args(%while3A_107 = %while3A_72) -> (vector<128x1xf32>)  : i32 {
      %get3A_108 = arith.index_cast %while3A_106 : i32 to index
      %get3A_109 = arith.constant 0 : index
      %get3A_110 = arith.constant 0 : index
      %get3A_111 = vector.load %arg2[%get3A_108, %get3A_109, %get3A_110] : memref<180x1x128xf32, #tpu.memory_space<vmem>>, vector<1x1x128xf32>
      %get3A_112 = vector.shape_cast %get3A_111 : vector<1x1x128xf32> to vector<1x128xf32>
      %gt3A_113 = vector.broadcast %get3A_112 : vector<1x128xf32> to vector<128x128xf32>
      %gt3A_114 = vector.broadcast %get3A_2 : vector<128x1xf32> to vector<128x128xf32>
      %gt3A_115 = arith.cmpf ogt, %gt3A_113, %gt3A_114 : vector<128x128xf32>
      %convert_element_type3A_116 = arith.extui %gt3A_115 : vector<128x128xi1> to vector<128x128xi32>
      %convert_element_type3A_117 = arith.sitofp %convert_element_type3A_116 : vector<128x128xi32> to vector<128x128xf32>
      %dot_general3A_118 = arith.constant dense<0.000000e+00> : vector<128x1xf32>
      %dot_general3A_119 = tpu.matmul %convert_element_type3A_117, %broadcast_in_dim3A_5, %dot_general3A_118 {dimension_numbers = #tpu.dot_dimension_numbers<[1], [0], [0], [1], [0, 0, 1, 1], [], []>, transpose_lhs_hint = false} : vector<128x128xf32>, vector<128x1xf32>, vector<128x1xf32> -> vector<128x1xf32>
      %add3A_120 = arith.addf %while3A_107, %dot_general3A_119 : vector<128x1xf32>
      scf.yield %add3A_120 : vector<128x1xf32>
    }
    %add3A_75 = arith.constant 1 : i32
    %add3A_76 = arith.addi %select_n3A, %add3A_75 : i32
    %while3A_77 = arith.constant 20 : i32
    %while3A_78 = arith.subi %while3A_77, %add3A_76 : i32
    %while3A_79 = arith.addi %add3A_76, %while3A_78 : i32
    %while3A_80 = arith.constant 1 : i32
    %while3A_81 = arith.divsi %while3A_78, %while3A_80 : i32
    %while3A_82 = arith.muli %while3A_81, %while3A_80 : i32
    %while3A_83 = arith.addi %add3A_76, %while3A_82 : i32
    %while3A_84 = arith.constant 1 : i32
    %while3A_85 = scf.for %while3A_106 = %add3A_76 to %while3A_83 step %while3A_84 iter_args(%while3A_107 = %while3A_74) -> (vector<128x1xf32>)  : i32 {
      %get3A_108 = arith.index_cast %while3A_106 : i32 to index
      %get3A_109 = arith.constant 0 : index
      %get3A_110 = arith.constant 0 : index
      %get3A_111 = vector.load %arg3[%get3A_108, %get3A_109, %get3A_110] : memref<20x1x1152xf32, #tpu.memory_space<vmem>>, vector<1x1x1152xf32>
      %get3A_112 = vector.shape_cast %get3A_111 : vector<1x1x1152xf32> to vector<1x1152xf32>
      %gt3A_113 = vector.broadcast %get3A_112 : vector<1x1152xf32> to vector<128x1152xf32>
      %gt3A_114 = vector.broadcast %get3A_2 : vector<128x1xf32> to vector<128x1152xf32>
      %gt3A_115 = arith.cmpf ogt, %gt3A_113, %gt3A_114 : vector<128x1152xf32>
      %convert_element_type3A_116 = arith.extui %gt3A_115 : vector<128x1152xi1> to vector<128x1152xi32>
      %convert_element_type3A_117 = arith.sitofp %convert_element_type3A_116 : vector<128x1152xi32> to vector<128x1152xf32>
      %dot_general3A_118 = arith.constant dense<0.000000e+00> : vector<128x1xf32>
      %dot_general3A_119 = tpu.matmul %convert_element_type3A_117, %broadcast_in_dim3A_3, %dot_general3A_118 {dimension_numbers = #tpu.dot_dimension_numbers<[1], [0], [0], [1], [0, 0, 1, 1], [], []>, transpose_lhs_hint = false} : vector<128x1152xf32>, vector<1152x1xf32>, vector<128x1xf32> -> vector<128x1xf32>
      %add3A_120 = arith.addf %while3A_107, %dot_general3A_119 : vector<128x1xf32>
      scf.yield %add3A_120 : vector<128x1xf32>
    }
    %while3A_86 = arith.constant 1 : i32
    %while3A_87 = scf.for %while3A_106 = %while3A_83 to %while3A_79 step %while3A_86 iter_args(%while3A_107 = %while3A_85) -> (vector<128x1xf32>)  : i32 {
      %get3A_108 = arith.index_cast %while3A_106 : i32 to index
      %get3A_109 = arith.constant 0 : index
      %get3A_110 = arith.constant 0 : index
      %get3A_111 = vector.load %arg3[%get3A_108, %get3A_109, %get3A_110] : memref<20x1x1152xf32, #tpu.memory_space<vmem>>, vector<1x1x1152xf32>
      %get3A_112 = vector.shape_cast %get3A_111 : vector<1x1x1152xf32> to vector<1x1152xf32>
      %gt3A_113 = vector.broadcast %get3A_112 : vector<1x1152xf32> to vector<128x1152xf32>
      %gt3A_114 = vector.broadcast %get3A_2 : vector<128x1xf32> to vector<128x1152xf32>
      %gt3A_115 = arith.cmpf ogt, %gt3A_113, %gt3A_114 : vector<128x1152xf32>
      %convert_element_type3A_116 = arith.extui %gt3A_115 : vector<128x1152xi1> to vector<128x1152xi32>
      %convert_element_type3A_117 = arith.sitofp %convert_element_type3A_116 : vector<128x1152xi32> to vector<128x1152xf32>
      %dot_general3A_118 = arith.constant dense<0.000000e+00> : vector<128x1xf32>
      %dot_general3A_119 = tpu.matmul %convert_element_type3A_117, %broadcast_in_dim3A_3, %dot_general3A_118 {dimension_numbers = #tpu.dot_dimension_numbers<[1], [0], [0], [1], [0, 0, 1, 1], [], []>, transpose_lhs_hint = false} : vector<128x1152xf32>, vector<1152x1xf32>, vector<128x1xf32> -> vector<128x1xf32>
      %add3A_120 = arith.addf %while3A_107, %dot_general3A_119 : vector<128x1xf32>
      scf.yield %add3A_120 : vector<128x1xf32>
    }
    %swap3A = arith.constant 0 : index
    %swap3A_88 = arith.constant 0 : index
    %swap3A_89 = vector.load %arg4[%swap3A, %swap3A_88] : memref<128x1xf32, #tpu.memory_space<vmem>>, vector<128x1xf32>
    tpu.vector_store %arg4[%swap3A, %swap3A_88], %while3A_87 {strides = array<i32>} : memref<128x1xf32, #tpu.memory_space<vmem>>, vector<128x1xf32>,
    %reduce_min3A = vector.shape_cast %while3A_87 : vector<128x1xf32> to vector<1x128x1xf32>
    %reduce_min3A_90 = arith.constant dense<0x7F800000> : vector<1xf32>
    %reduce_min3A_91 = vector.multi_reduction <minimumf>, %reduce_min3A, %reduce_min3A_90 [1, 2] : vector<1x128x1xf32> to vector<1xf32>
    %reduce_min3A_92 = vector.shape_cast %reduce_min3A_91 : vector<1xf32> to vector<1x1x1xf32>
    %reduce_min3A_93 = vector.extract %reduce_min3A_92[0, 0, 0] : f32 from vector<1x1x1xf32>
    %swap3A_94 = arith.constant 0 : index
    %swap3A_95 = arith.constant 0 : index
    %swap3A_96 = arith.constant 0 : index
    %swap3A_97 = memref.load %arg5[%swap3A_94, %swap3A_95, %swap3A_96] : memref<1x1x2xf32, #tpu.memory_space<smem>>
    memref.store %reduce_min3A_93, %arg5[%swap3A_94, %swap3A_95, %swap3A_96] : memref<1x1x2xf32, #tpu.memory_space<smem>>
    %reduce_max3A = vector.shape_cast %while3A_87 : vector<128x1xf32> to vector<1x128x1xf32>
    %reduce_max3A_98 = arith.constant dense<0xFF800000> : vector<1xf32>
    %reduce_max3A_99 = vector.multi_reduction <maximumf>, %reduce_max3A, %reduce_max3A_98 [1, 2] : vector<1x128x1xf32> to vector<1xf32>
    %reduce_max3A_100 = vector.shape_cast %reduce_max3A_99 : vector<1xf32> to vector<1x1x1xf32>
    %reduce_max3A_101 = vector.extract %reduce_max3A_100[0, 0, 0] : f32 from vector<1x1x1xf32>
    %swap3A_102 = arith.constant 0 : index
    %swap3A_103 = arith.constant 0 : index
    %swap3A_104 = arith.constant 1 : index
    %swap3A_105 = memref.load %arg5[%swap3A_102, %swap3A_103, %swap3A_104] : memref<1x1x2xf32, #tpu.memory_space<smem>>
    memref.store %reduce_max3A_101, %arg5[%swap3A_102, %swap3A_103, %swap3A_104] : memref<1x1x2xf32, #tpu.memory_space<smem>>
    return
  }
  func.func @transform_0(%arg0: i32) -> (i32, i32) {
    %c0_i32 = arith.constant 0 : i32
    %c0_i32_0 = arith.constant 0 : i32
    %c0_i32_1 = arith.constant 0 : i32
    return %c0_i32, %c0_i32_0 : i32, i32
  }
  func.func @transform_1(%arg0: i32) -> (i32, i32, i32) {
    %c0_i32 = arith.constant 0 : i32
    %c0_i32_0 = arith.constant 0 : i32
    %c0_i32_1 = arith.constant 0 : i32
    %c0_i32_2 = arith.constant 0 : i32
    return %c0_i32, %c0_i32_0, %c0_i32_1 : i32, i32, i32
  }
  func.func @transform_2(%arg0: i32) -> (i32, i32, i32) {
    %c0_i32 = arith.constant 0 : i32
    %c0_i32_0 = arith.constant 0 : i32
    %c0_i32_1 = arith.constant 0 : i32
    %c0_i32_2 = arith.constant 0 : i32
    return %c0_i32, %c0_i32_0, %c0_i32_1 : i32, i32, i32
  }
  func.func @transform_3(%arg0: i32) -> (i32, i32) {
    %c0_i32 = arith.constant 0 : i32
    %c0_i32_0 = arith.constant 0 : i32
    return %arg0, %c0_i32 : i32, i32
  }
  func.func @transform_4(%arg0: i32) -> (i32, i32, i32) {
    %c0_i32 = arith.constant 0 : i32
    %c0_i32_0 = arith.constant 0 : i32
    %c0_i32_1 = arith.constant 0 : i32
    return %arg0, %c0_i32, %c0_i32_0 : i32, i32, i32
  }
}

module attributes {stable_mosaic.version = 14 : i64} {
  func.func @_nms_body(%arg0: i32, %arg1: memref<10240x8xf32, #tpu.memory_space<vmem>>, %arg2: memref<80x1x128xf32, #tpu.memory_space<vmem>>, %arg3: memref<80x1x128xf32, #tpu.memory_space<vmem>>, %arg4: memref<80x1x128xf32, #tpu.memory_space<vmem>>, %arg5: memref<80x1x128xf32, #tpu.memory_space<vmem>>, %arg6: memref<80x1x128xf32, #tpu.memory_space<vmem>>, %arg7: memref<80x1x128xf32, #tpu.memory_space<vmem>>, %arg8: memref<1x1x128xf32, #tpu.memory_space<vmem>>, %arg9: memref<80x1x128xf32, #tpu.memory_space<vmem>>, %arg10: memref<128x1x128xf32, #tpu.memory_space<vmem>>) attributes {dimension_semantics = [#tpu.dimension_semantics<arbitrary>], iteration_bounds = array<i64: 80>, scalar_prefetch = 0 : i64, scratch_operands = 2 : i64, tpu.core_type = #tpu.core_type<tc>, window_params = [{pipeline_mode = #tpu.pipeline_mode<synchronous>, transform_indices = @transform_0, window_bounds = array<i64: 10240, 8>}, {pipeline_mode = #tpu.pipeline_mode<synchronous>, transform_indices = @transform_1, window_bounds = array<i64: 80, 1, 128>}, {pipeline_mode = #tpu.pipeline_mode<synchronous>, transform_indices = @transform_2, window_bounds = array<i64: 80, 1, 128>}, {pipeline_mode = #tpu.pipeline_mode<synchronous>, transform_indices = @transform_3, window_bounds = array<i64: 80, 1, 128>}, {pipeline_mode = #tpu.pipeline_mode<synchronous>, transform_indices = @transform_4, window_bounds = array<i64: 80, 1, 128>}, {pipeline_mode = #tpu.pipeline_mode<synchronous>, transform_indices = @transform_5, window_bounds = array<i64: 80, 1, 128>}, {pipeline_mode = #tpu.pipeline_mode<synchronous>, transform_indices = @transform_6, window_bounds = array<i64: 80, 1, 128>}, {transform_indices = @transform_7, window_bounds = array<i64: 1, 1, 128>}]} {
    %eq3A = arith.constant 0 : i32
    %eq3A_0 = arith.cmpi eq, %arg0, %eq3A : i32
    %convert_element_type3A = arith.extui %eq3A_0 : i1 to i32
    %cond3A = arith.constant 0 : i32
    %cond3A_1 = arith.cmpi ne, %convert_element_type3A, %cond3A : i32
    scf.if %cond3A_1 {
      %iota3A = tpu.iota {dimensions = array<i32: 0>} : vector<80x1x128xi32>
      %iota3A_51 = tpu.iota {dimensions = array<i32: 2>} : vector<80x1x128xi32>
      %mul3A_52 = arith.constant 128 : i32
      %mul3A_53 = vector.broadcast %mul3A_52 : i32 to vector<80x1x128xi32>
      %mul3A_54 = arith.muli %iota3A, %mul3A_53 : vector<80x1x128xi32>
      %add3A = arith.addi %mul3A_54, %iota3A_51 : vector<80x1x128xi32>
      %lt3A_55 = arith.constant 10000 : i32
      %lt3A_56 = vector.broadcast %lt3A_55 : i32 to vector<80x1x128xi32>
      %lt3A_57 = arith.cmpi slt, %add3A, %lt3A_56 : vector<80x1x128xi32>
      %convert_element_type3A_58 = arith.extui %lt3A_57 : vector<80x1x128xi1> to vector<80x1x128xi32>
      %convert_element_type3A_59 = arith.sitofp %convert_element_type3A_58 : vector<80x1x128xi32> to vector<80x1x128xf32>
      %get3A_60 = arith.constant 0 : index
      %get3A_61 = arith.constant 0 : index
      %get3A_62 = arith.constant 0 : index
      %get3A_63 = vector.load %arg7[%get3A_60, %get3A_61, %get3A_62] : memref<80x1x128xf32, #tpu.memory_space<vmem>>, vector<80x1x128xf32>
      %mul3A_64 = arith.mulf %get3A_63, %convert_element_type3A_59 : vector<80x1x128xf32>
      %sub3A_65 = arith.constant 1.000000e+00 : f32
      %sub3A_66 = vector.broadcast %sub3A_65 : f32 to vector<80x1x128xf32>
      %sub3A_67 = arith.subf %sub3A_66, %mul3A_64 : vector<80x1x128xf32>
      %swap3A_68 = arith.constant 0 : index
      %swap3A_69 = arith.constant 0 : index
      %swap3A_70 = arith.constant 0 : index
      %swap3A_71 = vector.load %arg9[%swap3A_68, %swap3A_69, %swap3A_70] : memref<80x1x128xf32, #tpu.memory_space<vmem>>, vector<80x1x128xf32>
      tpu.vector_store %arg9[%swap3A_68, %swap3A_69, %swap3A_70], %sub3A_67 {strides = array<i32>} : memref<80x1x128xf32, #tpu.memory_space<vmem>>, vector<80x1x128xf32>,
    } else {
    }
    %mul3A = arith.constant 128 : i32
    %mul3A_2 = arith.muli %arg0, %mul3A : i32
    %get3A = arith.index_cast %mul3A_2 : i32 to index
    %get3A_3 = arith.constant 0 : index
    %get3A_4 = vector.load %arg1[%get3A, %get3A_3] : memref<10240x8xf32, #tpu.memory_space<vmem>>, vector<128x8xf32>
    %slice3A = vector.extract_strided_slice %get3A_4 {offsets = [0, 0], sizes = [128, 1], strides = [1, 1]} : vector<128x8xf32> to vector<128x1xf32>
    %slice3A_5 = vector.extract_strided_slice %get3A_4 {offsets = [0, 1], sizes = [128, 1], strides = [1, 1]} : vector<128x8xf32> to vector<128x1xf32>
    %slice3A_6 = vector.extract_strided_slice %get3A_4 {offsets = [0, 2], sizes = [128, 1], strides = [1, 1]} : vector<128x8xf32> to vector<128x1xf32>
    %slice3A_7 = vector.extract_strided_slice %get3A_4 {offsets = [0, 3], sizes = [128, 1], strides = [1, 1]} : vector<128x8xf32> to vector<128x1xf32>
    %slice3A_8 = vector.extract_strided_slice %get3A_4 {offsets = [0, 4], sizes = [128, 1], strides = [1, 1]} : vector<128x8xf32> to vector<128x1xf32>
    %get3A_9 = arith.index_cast %arg0 : i32 to index
    %get3A_10 = arith.constant 0 : index
    %get3A_11 = arith.constant 0 : index
    %get3A_12 = vector.load %arg9[%get3A_9, %get3A_10, %get3A_11] : memref<80x1x128xf32, #tpu.memory_space<vmem>>, vector<1x1x128xf32>
    %get3A_13 = vector.shape_cast %get3A_12 : vector<1x1x128xf32> to vector<1x128xf32>
    %reduce_min3A = vector.shape_cast %get3A_13 : vector<1x128xf32> to vector<1x1x128xf32>
    %reduce_min3A_14 = arith.constant dense<0x7F800000> : vector<1xf32>
    %reduce_min3A_15 = vector.multi_reduction <minimumf>, %reduce_min3A, %reduce_min3A_14 [1, 2] : vector<1x1x128xf32> to vector<1xf32>
    %reduce_min3A_16 = vector.shape_cast %reduce_min3A_15 : vector<1xf32> to vector<1x1x1xf32>
    %reduce_min3A_17 = vector.extract %reduce_min3A_16[0, 0, 0] : f32 from vector<1x1x1xf32>
    %lt3A = arith.constant 5.000000e-01 : f32
    %lt3A_18 = arith.cmpf olt, %reduce_min3A_17, %lt3A : f32
    %convert_element_type3A_19 = arith.extui %lt3A_18 : i1 to i32
    %cond3A_20 = arith.constant 0 : i32
    %cond3A_21 = arith.cmpi ne, %convert_element_type3A_19, %cond3A_20 : i32
    %cond3A_22 = scf.if %cond3A_21 -> (vector<1x128xf32>) {
      %get3A_51 = arith.index_cast %arg0 : i32 to index
      %get3A_52 = arith.constant 0 : index
      %get3A_53 = arith.constant 0 : index
      %get3A_54 = vector.load %arg2[%get3A_51, %get3A_52, %get3A_53] : memref<80x1x128xf32, #tpu.memory_space<vmem>>, vector<1x1x128xf32>
      %get3A_55 = vector.shape_cast %get3A_54 : vector<1x1x128xf32> to vector<1x128xf32>
      %get3A_56 = arith.index_cast %arg0 : i32 to index
      %get3A_57 = arith.constant 0 : index
      %get3A_58 = arith.constant 0 : index
      %get3A_59 = vector.load %arg3[%get3A_56, %get3A_57, %get3A_58] : memref<80x1x128xf32, #tpu.memory_space<vmem>>, vector<1x1x128xf32>
      %get3A_60 = vector.shape_cast %get3A_59 : vector<1x1x128xf32> to vector<1x128xf32>
      %get3A_61 = arith.index_cast %arg0 : i32 to index
      %get3A_62 = arith.constant 0 : index
      %get3A_63 = arith.constant 0 : index
      %get3A_64 = vector.load %arg4[%get3A_61, %get3A_62, %get3A_63] : memref<80x1x128xf32, #tpu.memory_space<vmem>>, vector<1x1x128xf32>
      %get3A_65 = vector.shape_cast %get3A_64 : vector<1x1x128xf32> to vector<1x128xf32>
      %get3A_66 = arith.index_cast %arg0 : i32 to index
      %get3A_67 = arith.constant 0 : index
      %get3A_68 = arith.constant 0 : index
      %get3A_69 = vector.load %arg5[%get3A_66, %get3A_67, %get3A_68] : memref<80x1x128xf32, #tpu.memory_space<vmem>>, vector<1x1x128xf32>
      %get3A_70 = vector.shape_cast %get3A_69 : vector<1x1x128xf32> to vector<1x128xf32>
      %get3A_71 = arith.index_cast %arg0 : i32 to index
      %get3A_72 = arith.constant 0 : index
      %get3A_73 = arith.constant 0 : index
      %get3A_74 = vector.load %arg6[%get3A_71, %get3A_72, %get3A_73] : memref<80x1x128xf32, #tpu.memory_space<vmem>>, vector<1x1x128xf32>
      %get3A_75 = vector.shape_cast %get3A_74 : vector<1x1x128xf32> to vector<1x128xf32>
      %max3A = vector.broadcast %slice3A : vector<128x1xf32> to vector<128x128xf32>
      %max3A_76 = vector.broadcast %get3A_55 : vector<1x128xf32> to vector<128x128xf32>
      %max3A_77 = arith.maximumf %max3A, %max3A_76 : vector<128x128xf32>
      %max3A_78 = vector.broadcast %slice3A_5 : vector<128x1xf32> to vector<128x128xf32>
      %max3A_79 = vector.broadcast %get3A_60 : vector<1x128xf32> to vector<128x128xf32>
      %max3A_80 = arith.maximumf %max3A_78, %max3A_79 : vector<128x128xf32>
      %min3A = vector.broadcast %slice3A_6 : vector<128x1xf32> to vector<128x128xf32>
      %min3A_81 = vector.broadcast %get3A_65 : vector<1x128xf32> to vector<128x128xf32>
      %min3A_82 = arith.minimumf %min3A, %min3A_81 : vector<128x128xf32>
      %min3A_83 = vector.broadcast %slice3A_7 : vector<128x1xf32> to vector<128x128xf32>
      %min3A_84 = vector.broadcast %get3A_70 : vector<1x128xf32> to vector<128x128xf32>
      %min3A_85 = arith.minimumf %min3A_83, %min3A_84 : vector<128x128xf32>
      %sub3A_86 = arith.subf %min3A_82, %max3A_77 : vector<128x128xf32>
      %max3A_87 = arith.constant 0.000000e+00 : f32
      %max3A_88 = vector.broadcast %max3A_87 : f32 to vector<128x128xf32>
      %max3A_89 = arith.maximumf %sub3A_86, %max3A_88 : vector<128x128xf32>
      %sub3A_90 = arith.subf %min3A_85, %max3A_80 : vector<128x128xf32>
      %max3A_91 = arith.constant 0.000000e+00 : f32
      %max3A_92 = vector.broadcast %max3A_91 : f32 to vector<128x128xf32>
      %max3A_93 = arith.maximumf %sub3A_90, %max3A_92 : vector<128x128xf32>
      %mul3A_94 = arith.mulf %max3A_89, %max3A_93 : vector<128x128xf32>
      %add3A = vector.broadcast %slice3A_8 : vector<128x1xf32> to vector<128x128xf32>
      %add3A_95 = vector.broadcast %get3A_75 : vector<1x128xf32> to vector<128x128xf32>
      %add3A_96 = arith.addf %add3A, %add3A_95 : vector<128x128xf32>
      %sub3A_97 = arith.subf %add3A_96, %mul3A_94 : vector<128x128xf32>
      %add3A_98 = arith.constant 9.99999971E-10 : f32
      %add3A_99 = vector.broadcast %add3A_98 : f32 to vector<128x128xf32>
      %add3A_100 = arith.addf %sub3A_97, %add3A_99 : vector<128x128xf32>
      %div3A = arith.divf %mul3A_94, %add3A_100 : vector<128x128xf32>
      %gt3A_101 = arith.constant 0.699999988 : f32
      %gt3A_102 = vector.broadcast %gt3A_101 : f32 to vector<128x128xf32>
      %gt3A_103 = arith.cmpf ogt, %div3A, %gt3A_102 : vector<128x128xf32>
      %convert_element_type3A_104 = arith.extui %gt3A_103 : vector<128x128xi1> to vector<128x128xi32>
      %convert_element_type3A_105 = arith.sitofp %convert_element_type3A_104 : vector<128x128xi32> to vector<128x128xf32>
      %iota3A = tpu.iota {dimensions = array<i32: 0>} : vector<128x128xi32>
      %iota3A_106 = tpu.iota {dimensions = array<i32: 1>} : vector<128x128xi32>
      %gt3A_107 = arith.cmpi sgt, %iota3A_106, %iota3A : vector<128x128xi32>
      %jit3A = arith.constant 0.000000e+00 : f32
      %broadcast_in_dim3A_108 = vector.broadcast %jit3A : f32 to vector<128x128xf32>
      %select_n3A = arith.select %gt3A_107, %convert_element_type3A_105, %broadcast_in_dim3A_108 : vector<128x128xi1>, vector<128x128xf32>
      %broadcast_in_dim3A_109 = vector.shape_cast %select_n3A : vector<128x128xf32> to vector<128x1x128xf32>
      %swap3A_110 = arith.constant 0 : index
      %swap3A_111 = arith.constant 0 : index
      %swap3A_112 = arith.constant 0 : index
      %swap3A_113 = vector.load %arg10[%swap3A_110, %swap3A_111, %swap3A_112] : memref<128x1x128xf32, #tpu.memory_space<vmem>>, vector<128x1x128xf32>
      tpu.vector_store %arg10[%swap3A_110, %swap3A_111, %swap3A_112], %broadcast_in_dim3A_109 {strides = array<i32>} : memref<128x1x128xf32, #tpu.memory_space<vmem>>, vector<128x1x128xf32>,
      %iota3A_114 = tpu.iota {dimensions = array<i32: 1>} : vector<1x128xi32>
      %scan3A = arith.constant 0 : i32
      %scan3A_115 = arith.constant 128 : i32
      %scan3A_116 = arith.addi %scan3A, %scan3A_115 : i32
      %scan3A_117 = arith.constant 1 : i32
      %scan3A_118 = scf.for %scan3A_120 = %scan3A to %scan3A_116 step %scan3A_117 iter_args(%scan3A_121 = %get3A_13) -> (vector<1x128xf32>)  : i32 {
        %eq3A_122 = vector.broadcast %scan3A_120 : i32 to vector<1x128xi32>
        %eq3A_123 = arith.cmpi eq, %iota3A_114, %eq3A_122 : vector<1x128xi32>
        %jit3A_124 = arith.constant 0.000000e+00 : f32
        %broadcast_in_dim3A_125 = vector.broadcast %jit3A_124 : f32 to vector<1x128xf32>
        %select_n3A_126 = arith.select %eq3A_123, %scan3A_121, %broadcast_in_dim3A_125 : vector<1x128xi1>, vector<1x128xf32>
        %reduce_sum3A = vector.shape_cast %select_n3A_126 : vector<1x128xf32> to vector<1x1x128xf32>
        %reduce_sum3A_127 = arith.constant dense<0.000000e+00> : vector<1xf32>
        %reduce_sum3A_128 = vector.multi_reduction <add>, %reduce_sum3A, %reduce_sum3A_127 [1, 2] : vector<1x1x128xf32> to vector<1xf32>
        %reduce_sum3A_129 = vector.shape_cast %reduce_sum3A_128 : vector<1xf32> to vector<1x1x1xf32>
        %reduce_sum3A_130 = vector.extract %reduce_sum3A_129[0, 0, 0] : f32 from vector<1x1x1xf32>
        %lt3A_131 = arith.constant 5.000000e-01 : f32
        %lt3A_132 = arith.cmpf olt, %reduce_sum3A_130, %lt3A_131 : f32
        %get3A_133 = arith.index_cast %scan3A_120 : i32 to index
        %get3A_134 = arith.constant 0 : index
        %get3A_135 = arith.constant 0 : index
        %get3A_136 = vector.load %arg10[%get3A_133, %get3A_134, %get3A_135] : memref<128x1x128xf32, #tpu.memory_space<vmem>>, vector<1x1x128xf32>
        %get3A_137 = vector.shape_cast %get3A_136 : vector<1x1x128xf32> to vector<1x128xf32>
        %max3A_138 = arith.maximumf %scan3A_121, %get3A_137 : vector<1x128xf32>
        %select_n3A_139 = arith.select %lt3A_132, %max3A_138, %scan3A_121 : vector<1x128xf32>
        scf.yield %select_n3A_139 : vector<1x128xf32>
      }
      %scan3A_119 = arith.constant 128 : i32
      scf.yield %scan3A_118 : vector<1x128xf32>
    } else {
      scf.yield %get3A_13 : vector<1x128xf32>
    }
    %swap3A = arith.index_cast %arg0 : i32 to index
    %swap3A_23 = arith.constant 0 : index
    %swap3A_24 = arith.constant 0 : index
    %swap3A_25 = vector.load %arg9[%swap3A, %swap3A_23, %swap3A_24] : memref<80x1x128xf32, #tpu.memory_space<vmem>>, vector<1x1x128xf32>
    %swap3A_26 = vector.shape_cast %swap3A_25 : vector<1x1x128xf32> to vector<1x128xf32>
    %swap3A_27 = vector.shape_cast %cond3A_22 : vector<1x128xf32> to vector<1x1x128xf32>
    tpu.vector_store %arg9[%swap3A, %swap3A_23, %swap3A_24], %swap3A_27 {strides = array<i32>} : memref<80x1x128xf32, #tpu.memory_space<vmem>>, vector<1x1x128xf32>,
    %sub3A = arith.constant 1.000000e+00 : f32
    %sub3A_28 = vector.broadcast %sub3A : f32 to vector<1x128xf32>
    %sub3A_29 = arith.subf %sub3A_28, %cond3A_22 : vector<1x128xf32>
    %get3A_30 = arith.index_cast %arg0 : i32 to index
    %get3A_31 = arith.constant 0 : index
    %get3A_32 = arith.constant 0 : index
    %get3A_33 = vector.load %arg7[%get3A_30, %get3A_31, %get3A_32] : memref<80x1x128xf32, #tpu.memory_space<vmem>>, vector<1x1x128xf32>
    %get3A_34 = vector.shape_cast %get3A_33 : vector<1x1x128xf32> to vector<1x128xf32>
    %mul3A_35 = arith.mulf %sub3A_29, %get3A_34 : vector<1x128xf32>
    %broadcast_in_dim3A = vector.shape_cast %mul3A_35 : vector<1x128xf32> to vector<1x1x128xf32>
    %swap3A_36 = arith.constant 0 : index
    %swap3A_37 = arith.constant 0 : index
    %swap3A_38 = arith.constant 0 : index
    %swap3A_39 = vector.load %arg8[%swap3A_36, %swap3A_37, %swap3A_38] : memref<1x1x128xf32, #tpu.memory_space<vmem>>, vector<1x1x128xf32>
    tpu.vector_store %arg8[%swap3A_36, %swap3A_37, %swap3A_38], %broadcast_in_dim3A {strides = array<i32>} : memref<1x1x128xf32, #tpu.memory_space<vmem>>, vector<1x1x128xf32>,
    %sub3A_40 = arith.constant 1.000000e+00 : f32
    %sub3A_41 = vector.broadcast %sub3A_40 : f32 to vector<1x128xf32>
    %sub3A_42 = arith.subf %sub3A_41, %cond3A_22 : vector<1x128xf32>
    %reduce_max3A = vector.shape_cast %sub3A_42 : vector<1x128xf32> to vector<1x1x128xf32>
    %reduce_max3A_43 = arith.constant dense<0xFF800000> : vector<1xf32>
    %reduce_max3A_44 = vector.multi_reduction <maximumf>, %reduce_max3A, %reduce_max3A_43 [1, 2] : vector<1x1x128xf32> to vector<1xf32>
    %reduce_max3A_45 = vector.shape_cast %reduce_max3A_44 : vector<1xf32> to vector<1x1x1xf32>
    %reduce_max3A_46 = vector.extract %reduce_max3A_45[0, 0, 0] : f32 from vector<1x1x1xf32>
    %gt3A = arith.constant 5.000000e-01 : f32
    %gt3A_47 = arith.cmpf ogt, %reduce_max3A_46, %gt3A : f32
    %convert_element_type3A_48 = arith.extui %gt3A_47 : i1 to i32
    %cond3A_49 = arith.constant 0 : i32
    %cond3A_50 = arith.cmpi ne, %convert_element_type3A_48, %cond3A_49 : i32
    scf.if %cond3A_50 {
      %add3A = arith.constant 1 : i32
      %add3A_51 = arith.addi %arg0, %add3A : i32
      %while3A = arith.constant 80 : i32
      %while3A_52 = arith.constant 0 : i32
      %while3A_53 = arith.subi %while3A, %add3A_51 : i32
      %while3A_54 = arith.addi %add3A_51, %while3A_53 : i32
      %while3A_55 = arith.constant 1 : i32
      %while3A_56 = arith.divsi %while3A_53, %while3A_55 : i32
      %while3A_57 = arith.muli %while3A_56, %while3A_55 : i32
      %while3A_58 = arith.addi %add3A_51, %while3A_57 : i32
      %while3A_59 = arith.constant 1 : i32
      %while3A_60 = scf.for %while3A_63 = %add3A_51 to %while3A_58 step %while3A_59 iter_args(%while3A_64 = %while3A_52) -> (i32)  : i32 {
        %get3A_65 = arith.index_cast %while3A_63 : i32 to index
        %get3A_66 = arith.constant 0 : index
        %get3A_67 = arith.constant 0 : index
        %get3A_68 = vector.load %arg9[%get3A_65, %get3A_66, %get3A_67] : memref<80x1x128xf32, #tpu.memory_space<vmem>>, vector<1x1x128xf32>
        %get3A_69 = vector.shape_cast %get3A_68 : vector<1x1x128xf32> to vector<1x128xf32>
        %reduce_min3A_70 = vector.shape_cast %get3A_69 : vector<1x128xf32> to vector<1x1x128xf32>
        %reduce_min3A_71 = arith.constant dense<0x7F800000> : vector<1xf32>
        %reduce_min3A_72 = vector.multi_reduction <minimumf>, %reduce_min3A_70, %reduce_min3A_71 [1, 2] : vector<1x1x128xf32> to vector<1xf32>
        %reduce_min3A_73 = vector.shape_cast %reduce_min3A_72 : vector<1xf32> to vector<1x1x1xf32>
        %reduce_min3A_74 = vector.extract %reduce_min3A_73[0, 0, 0] : f32 from vector<1x1x1xf32>
        %lt3A_75 = arith.constant 5.000000e-01 : f32
        %lt3A_76 = arith.cmpf olt, %reduce_min3A_74, %lt3A_75 : f32
        %convert_element_type3A_77 = arith.extui %lt3A_76 : i1 to i32
        %cond3A_78 = arith.constant 0 : i32
        %cond3A_79 = arith.cmpi ne, %convert_element_type3A_77, %cond3A_78 : i32
        %cond3A_80 = scf.if %cond3A_79 -> (vector<1x128xf32>) {
          %get3A_88 = arith.index_cast %while3A_63 : i32 to index
          %get3A_89 = arith.constant 0 : index
          %get3A_90 = arith.constant 0 : index
          %get3A_91 = vector.load %arg2[%get3A_88, %get3A_89, %get3A_90] : memref<80x1x128xf32, #tpu.memory_space<vmem>>, vector<1x1x128xf32>
          %get3A_92 = vector.shape_cast %get3A_91 : vector<1x1x128xf32> to vector<1x128xf32>
          %get3A_93 = arith.index_cast %while3A_63 : i32 to index
          %get3A_94 = arith.constant 0 : index
          %get3A_95 = arith.constant 0 : index
          %get3A_96 = vector.load %arg3[%get3A_93, %get3A_94, %get3A_95] : memref<80x1x128xf32, #tpu.memory_space<vmem>>, vector<1x1x128xf32>
          %get3A_97 = vector.shape_cast %get3A_96 : vector<1x1x128xf32> to vector<1x128xf32>
          %get3A_98 = arith.index_cast %while3A_63 : i32 to index
          %get3A_99 = arith.constant 0 : index
          %get3A_100 = arith.constant 0 : index
          %get3A_101 = vector.load %arg4[%get3A_98, %get3A_99, %get3A_100] : memref<80x1x128xf32, #tpu.memory_space<vmem>>, vector<1x1x128xf32>
          %get3A_102 = vector.shape_cast %get3A_101 : vector<1x1x128xf32> to vector<1x128xf32>
          %get3A_103 = arith.index_cast %while3A_63 : i32 to index
          %get3A_104 = arith.constant 0 : index
          %get3A_105 = arith.constant 0 : index
          %get3A_106 = vector.load %arg5[%get3A_103, %get3A_104, %get3A_105] : memref<80x1x128xf32, #tpu.memory_space<vmem>>, vector<1x1x128xf32>
          %get3A_107 = vector.shape_cast %get3A_106 : vector<1x1x128xf32> to vector<1x128xf32>
          %get3A_108 = arith.index_cast %while3A_63 : i32 to index
          %get3A_109 = arith.constant 0 : index
          %get3A_110 = arith.constant 0 : index
          %get3A_111 = vector.load %arg6[%get3A_108, %get3A_109, %get3A_110] : memref<80x1x128xf32, #tpu.memory_space<vmem>>, vector<1x1x128xf32>
          %get3A_112 = vector.shape_cast %get3A_111 : vector<1x1x128xf32> to vector<1x128xf32>
          %max3A = vector.broadcast %slice3A : vector<128x1xf32> to vector<128x128xf32>
          %max3A_113 = vector.broadcast %get3A_92 : vector<1x128xf32> to vector<128x128xf32>
          %max3A_114 = arith.maximumf %max3A, %max3A_113 : vector<128x128xf32>
          %max3A_115 = vector.broadcast %slice3A_5 : vector<128x1xf32> to vector<128x128xf32>
          %max3A_116 = vector.broadcast %get3A_97 : vector<1x128xf32> to vector<128x128xf32>
          %max3A_117 = arith.maximumf %max3A_115, %max3A_116 : vector<128x128xf32>
          %min3A = vector.broadcast %slice3A_6 : vector<128x1xf32> to vector<128x128xf32>
          %min3A_118 = vector.broadcast %get3A_102 : vector<1x128xf32> to vector<128x128xf32>
          %min3A_119 = arith.minimumf %min3A, %min3A_118 : vector<128x128xf32>
          %min3A_120 = vector.broadcast %slice3A_7 : vector<128x1xf32> to vector<128x128xf32>
          %min3A_121 = vector.broadcast %get3A_107 : vector<1x128xf32> to vector<128x128xf32>
          %min3A_122 = arith.minimumf %min3A_120, %min3A_121 : vector<128x128xf32>
          %sub3A_123 = arith.subf %min3A_119, %max3A_114 : vector<128x128xf32>
          %max3A_124 = arith.constant 0.000000e+00 : f32
          %max3A_125 = vector.broadcast %max3A_124 : f32 to vector<128x128xf32>
          %max3A_126 = arith.maximumf %sub3A_123, %max3A_125 : vector<128x128xf32>
          %sub3A_127 = arith.subf %min3A_122, %max3A_117 : vector<128x128xf32>
          %max3A_128 = arith.constant 0.000000e+00 : f32
          %max3A_129 = vector.broadcast %max3A_128 : f32 to vector<128x128xf32>
          %max3A_130 = arith.maximumf %sub3A_127, %max3A_129 : vector<128x128xf32>
          %mul3A_131 = arith.mulf %max3A_126, %max3A_130 : vector<128x128xf32>
          %add3A_132 = vector.broadcast %slice3A_8 : vector<128x1xf32> to vector<128x128xf32>
          %add3A_133 = vector.broadcast %get3A_112 : vector<1x128xf32> to vector<128x128xf32>
          %add3A_134 = arith.addf %add3A_132, %add3A_133 : vector<128x128xf32>
          %sub3A_135 = arith.subf %add3A_134, %mul3A_131 : vector<128x128xf32>
          %add3A_136 = arith.constant 9.99999971E-10 : f32
          %add3A_137 = vector.broadcast %add3A_136 : f32 to vector<128x128xf32>
          %add3A_138 = arith.addf %sub3A_135, %add3A_137 : vector<128x128xf32>
          %div3A = arith.divf %mul3A_131, %add3A_138 : vector<128x128xf32>
          %gt3A_139 = arith.constant 0.699999988 : f32
          %gt3A_140 = vector.broadcast %gt3A_139 : f32 to vector<128x128xf32>
          %gt3A_141 = arith.cmpf ogt, %div3A, %gt3A_140 : vector<128x128xf32>
          %convert_element_type3A_142 = arith.extui %gt3A_141 : vector<128x128xi1> to vector<128x128xi32>
          %convert_element_type3A_143 = arith.sitofp %convert_element_type3A_142 : vector<128x128xi32> to vector<128x128xf32>
          %dot_general3A = arith.constant dense<0.000000e+00> : vector<1x128xf32>
          %dot_general3A_144 = tpu.matmul %sub3A_42, %convert_element_type3A_143, %dot_general3A {dimension_numbers = #tpu.dot_dimension_numbers<[1], [0], [0], [1], [0, 0, 1, 1], [], []>, transpose_lhs_hint = false} : vector<1x128xf32>, vector<128x128xf32>, vector<1x128xf32> -> vector<1x128xf32>
          %gt3A_145 = arith.constant 0.000000e+00 : f32
          %gt3A_146 = vector.broadcast %gt3A_145 : f32 to vector<1x128xf32>
          %gt3A_147 = arith.cmpf ogt, %dot_general3A_144, %gt3A_146 : vector<1x128xf32>
          %convert_element_type3A_148 = arith.extui %gt3A_147 : vector<1x128xi1> to vector<1x128xi32>
          %convert_element_type3A_149 = arith.sitofp %convert_element_type3A_148 : vector<1x128xi32> to vector<1x128xf32>
          %max3A_150 = arith.maximumf %get3A_69, %convert_element_type3A_149 : vector<1x128xf32>
          scf.yield %max3A_150 : vector<1x128xf32>
        } else {
          scf.yield %get3A_69 : vector<1x128xf32>
        }
        %swap3A_81 = arith.index_cast %while3A_63 : i32 to index
        %swap3A_82 = arith.constant 0 : index
        %swap3A_83 = arith.constant 0 : index
        %swap3A_84 = vector.load %arg9[%swap3A_81, %swap3A_82, %swap3A_83] : memref<80x1x128xf32, #tpu.memory_space<vmem>>, vector<1x1x128xf32>
        %swap3A_85 = vector.shape_cast %swap3A_84 : vector<1x1x128xf32> to vector<1x128xf32>
        %swap3A_86 = vector.shape_cast %cond3A_80 : vector<1x128xf32> to vector<1x1x128xf32>
        tpu.vector_store %arg9[%swap3A_81, %swap3A_82, %swap3A_83], %swap3A_86 {strides = array<i32>} : memref<80x1x128xf32, #tpu.memory_space<vmem>>, vector<1x1x128xf32>,
        %while3A_87 = arith.constant 0 : i32
        scf.yield %while3A_87 : i32
      }
      %while3A_61 = arith.constant 1 : i32
      %while3A_62 = scf.for %while3A_63 = %while3A_58 to %while3A_54 step %while3A_61 iter_args(%while3A_64 = %while3A_60) -> (i32)  : i32 {
        %get3A_65 = arith.index_cast %while3A_63 : i32 to index
        %get3A_66 = arith.constant 0 : index
        %get3A_67 = arith.constant 0 : index
        %get3A_68 = vector.load %arg9[%get3A_65, %get3A_66, %get3A_67] : memref<80x1x128xf32, #tpu.memory_space<vmem>>, vector<1x1x128xf32>
        %get3A_69 = vector.shape_cast %get3A_68 : vector<1x1x128xf32> to vector<1x128xf32>
        %reduce_min3A_70 = vector.shape_cast %get3A_69 : vector<1x128xf32> to vector<1x1x128xf32>
        %reduce_min3A_71 = arith.constant dense<0x7F800000> : vector<1xf32>
        %reduce_min3A_72 = vector.multi_reduction <minimumf>, %reduce_min3A_70, %reduce_min3A_71 [1, 2] : vector<1x1x128xf32> to vector<1xf32>
        %reduce_min3A_73 = vector.shape_cast %reduce_min3A_72 : vector<1xf32> to vector<1x1x1xf32>
        %reduce_min3A_74 = vector.extract %reduce_min3A_73[0, 0, 0] : f32 from vector<1x1x1xf32>
        %lt3A_75 = arith.constant 5.000000e-01 : f32
        %lt3A_76 = arith.cmpf olt, %reduce_min3A_74, %lt3A_75 : f32
        %convert_element_type3A_77 = arith.extui %lt3A_76 : i1 to i32
        %cond3A_78 = arith.constant 0 : i32
        %cond3A_79 = arith.cmpi ne, %convert_element_type3A_77, %cond3A_78 : i32
        %cond3A_80 = scf.if %cond3A_79 -> (vector<1x128xf32>) {
          %get3A_88 = arith.index_cast %while3A_63 : i32 to index
          %get3A_89 = arith.constant 0 : index
          %get3A_90 = arith.constant 0 : index
          %get3A_91 = vector.load %arg2[%get3A_88, %get3A_89, %get3A_90] : memref<80x1x128xf32, #tpu.memory_space<vmem>>, vector<1x1x128xf32>
          %get3A_92 = vector.shape_cast %get3A_91 : vector<1x1x128xf32> to vector<1x128xf32>
          %get3A_93 = arith.index_cast %while3A_63 : i32 to index
          %get3A_94 = arith.constant 0 : index
          %get3A_95 = arith.constant 0 : index
          %get3A_96 = vector.load %arg3[%get3A_93, %get3A_94, %get3A_95] : memref<80x1x128xf32, #tpu.memory_space<vmem>>, vector<1x1x128xf32>
          %get3A_97 = vector.shape_cast %get3A_96 : vector<1x1x128xf32> to vector<1x128xf32>
          %get3A_98 = arith.index_cast %while3A_63 : i32 to index
          %get3A_99 = arith.constant 0 : index
          %get3A_100 = arith.constant 0 : index
          %get3A_101 = vector.load %arg4[%get3A_98, %get3A_99, %get3A_100] : memref<80x1x128xf32, #tpu.memory_space<vmem>>, vector<1x1x128xf32>
          %get3A_102 = vector.shape_cast %get3A_101 : vector<1x1x128xf32> to vector<1x128xf32>
          %get3A_103 = arith.index_cast %while3A_63 : i32 to index
          %get3A_104 = arith.constant 0 : index
          %get3A_105 = arith.constant 0 : index
          %get3A_106 = vector.load %arg5[%get3A_103, %get3A_104, %get3A_105] : memref<80x1x128xf32, #tpu.memory_space<vmem>>, vector<1x1x128xf32>
          %get3A_107 = vector.shape_cast %get3A_106 : vector<1x1x128xf32> to vector<1x128xf32>
          %get3A_108 = arith.index_cast %while3A_63 : i32 to index
          %get3A_109 = arith.constant 0 : index
          %get3A_110 = arith.constant 0 : index
          %get3A_111 = vector.load %arg6[%get3A_108, %get3A_109, %get3A_110] : memref<80x1x128xf32, #tpu.memory_space<vmem>>, vector<1x1x128xf32>
          %get3A_112 = vector.shape_cast %get3A_111 : vector<1x1x128xf32> to vector<1x128xf32>
          %max3A = vector.broadcast %slice3A : vector<128x1xf32> to vector<128x128xf32>
          %max3A_113 = vector.broadcast %get3A_92 : vector<1x128xf32> to vector<128x128xf32>
          %max3A_114 = arith.maximumf %max3A, %max3A_113 : vector<128x128xf32>
          %max3A_115 = vector.broadcast %slice3A_5 : vector<128x1xf32> to vector<128x128xf32>
          %max3A_116 = vector.broadcast %get3A_97 : vector<1x128xf32> to vector<128x128xf32>
          %max3A_117 = arith.maximumf %max3A_115, %max3A_116 : vector<128x128xf32>
          %min3A = vector.broadcast %slice3A_6 : vector<128x1xf32> to vector<128x128xf32>
          %min3A_118 = vector.broadcast %get3A_102 : vector<1x128xf32> to vector<128x128xf32>
          %min3A_119 = arith.minimumf %min3A, %min3A_118 : vector<128x128xf32>
          %min3A_120 = vector.broadcast %slice3A_7 : vector<128x1xf32> to vector<128x128xf32>
          %min3A_121 = vector.broadcast %get3A_107 : vector<1x128xf32> to vector<128x128xf32>
          %min3A_122 = arith.minimumf %min3A_120, %min3A_121 : vector<128x128xf32>
          %sub3A_123 = arith.subf %min3A_119, %max3A_114 : vector<128x128xf32>
          %max3A_124 = arith.constant 0.000000e+00 : f32
          %max3A_125 = vector.broadcast %max3A_124 : f32 to vector<128x128xf32>
          %max3A_126 = arith.maximumf %sub3A_123, %max3A_125 : vector<128x128xf32>
          %sub3A_127 = arith.subf %min3A_122, %max3A_117 : vector<128x128xf32>
          %max3A_128 = arith.constant 0.000000e+00 : f32
          %max3A_129 = vector.broadcast %max3A_128 : f32 to vector<128x128xf32>
          %max3A_130 = arith.maximumf %sub3A_127, %max3A_129 : vector<128x128xf32>
          %mul3A_131 = arith.mulf %max3A_126, %max3A_130 : vector<128x128xf32>
          %add3A_132 = vector.broadcast %slice3A_8 : vector<128x1xf32> to vector<128x128xf32>
          %add3A_133 = vector.broadcast %get3A_112 : vector<1x128xf32> to vector<128x128xf32>
          %add3A_134 = arith.addf %add3A_132, %add3A_133 : vector<128x128xf32>
          %sub3A_135 = arith.subf %add3A_134, %mul3A_131 : vector<128x128xf32>
          %add3A_136 = arith.constant 9.99999971E-10 : f32
          %add3A_137 = vector.broadcast %add3A_136 : f32 to vector<128x128xf32>
          %add3A_138 = arith.addf %sub3A_135, %add3A_137 : vector<128x128xf32>
          %div3A = arith.divf %mul3A_131, %add3A_138 : vector<128x128xf32>
          %gt3A_139 = arith.constant 0.699999988 : f32
          %gt3A_140 = vector.broadcast %gt3A_139 : f32 to vector<128x128xf32>
          %gt3A_141 = arith.cmpf ogt, %div3A, %gt3A_140 : vector<128x128xf32>
          %convert_element_type3A_142 = arith.extui %gt3A_141 : vector<128x128xi1> to vector<128x128xi32>
          %convert_element_type3A_143 = arith.sitofp %convert_element_type3A_142 : vector<128x128xi32> to vector<128x128xf32>
          %dot_general3A = arith.constant dense<0.000000e+00> : vector<1x128xf32>
          %dot_general3A_144 = tpu.matmul %sub3A_42, %convert_element_type3A_143, %dot_general3A {dimension_numbers = #tpu.dot_dimension_numbers<[1], [0], [0], [1], [0, 0, 1, 1], [], []>, transpose_lhs_hint = false} : vector<1x128xf32>, vector<128x128xf32>, vector<1x128xf32> -> vector<1x128xf32>
          %gt3A_145 = arith.constant 0.000000e+00 : f32
          %gt3A_146 = vector.broadcast %gt3A_145 : f32 to vector<1x128xf32>
          %gt3A_147 = arith.cmpf ogt, %dot_general3A_144, %gt3A_146 : vector<1x128xf32>
          %convert_element_type3A_148 = arith.extui %gt3A_147 : vector<1x128xi1> to vector<1x128xi32>
          %convert_element_type3A_149 = arith.sitofp %convert_element_type3A_148 : vector<1x128xi32> to vector<1x128xf32>
          %max3A_150 = arith.maximumf %get3A_69, %convert_element_type3A_149 : vector<1x128xf32>
          scf.yield %max3A_150 : vector<1x128xf32>
        } else {
          scf.yield %get3A_69 : vector<1x128xf32>
        }
        %swap3A_81 = arith.index_cast %while3A_63 : i32 to index
        %swap3A_82 = arith.constant 0 : index
        %swap3A_83 = arith.constant 0 : index
        %swap3A_84 = vector.load %arg9[%swap3A_81, %swap3A_82, %swap3A_83] : memref<80x1x128xf32, #tpu.memory_space<vmem>>, vector<1x1x128xf32>
        %swap3A_85 = vector.shape_cast %swap3A_84 : vector<1x1x128xf32> to vector<1x128xf32>
        %swap3A_86 = vector.shape_cast %cond3A_80 : vector<1x128xf32> to vector<1x1x128xf32>
        tpu.vector_store %arg9[%swap3A_81, %swap3A_82, %swap3A_83], %swap3A_86 {strides = array<i32>} : memref<80x1x128xf32, #tpu.memory_space<vmem>>, vector<1x1x128xf32>,
        %while3A_87 = arith.constant 0 : i32
        scf.yield %while3A_87 : i32
      }
    } else {
    }
    return
  }
  func.func @transform_0(%arg0: i32) -> (i32, i32) {
    %c0_i32 = arith.constant 0 : i32
    %c0_i32_0 = arith.constant 0 : i32
    %c0_i32_1 = arith.constant 0 : i32
    return %c0_i32, %c0_i32_0 : i32, i32
  }
  func.func @transform_1(%arg0: i32) -> (i32, i32, i32) {
    %c0_i32 = arith.constant 0 : i32
    %c0_i32_0 = arith.constant 0 : i32
    %c0_i32_1 = arith.constant 0 : i32
    %c0_i32_2 = arith.constant 0 : i32
    return %c0_i32, %c0_i32_0, %c0_i32_1 : i32, i32, i32
  }
  func.func @transform_2(%arg0: i32) -> (i32, i32, i32) {
    %c0_i32 = arith.constant 0 : i32
    %c0_i32_0 = arith.constant 0 : i32
    %c0_i32_1 = arith.constant 0 : i32
    %c0_i32_2 = arith.constant 0 : i32
    return %c0_i32, %c0_i32_0, %c0_i32_1 : i32, i32, i32
  }
  func.func @transform_3(%arg0: i32) -> (i32, i32, i32) {
    %c0_i32 = arith.constant 0 : i32
    %c0_i32_0 = arith.constant 0 : i32
    %c0_i32_1 = arith.constant 0 : i32
    %c0_i32_2 = arith.constant 0 : i32
    return %c0_i32, %c0_i32_0, %c0_i32_1 : i32, i32, i32
  }
  func.func @transform_4(%arg0: i32) -> (i32, i32, i32) {
    %c0_i32 = arith.constant 0 : i32
    %c0_i32_0 = arith.constant 0 : i32
    %c0_i32_1 = arith.constant 0 : i32
    %c0_i32_2 = arith.constant 0 : i32
    return %c0_i32, %c0_i32_0, %c0_i32_1 : i32, i32, i32
  }
  func.func @transform_5(%arg0: i32) -> (i32, i32, i32) {
    %c0_i32 = arith.constant 0 : i32
    %c0_i32_0 = arith.constant 0 : i32
    %c0_i32_1 = arith.constant 0 : i32
    %c0_i32_2 = arith.constant 0 : i32
    return %c0_i32, %c0_i32_0, %c0_i32_1 : i32, i32, i32
  }
  func.func @transform_6(%arg0: i32) -> (i32, i32, i32) {
    %c0_i32 = arith.constant 0 : i32
    %c0_i32_0 = arith.constant 0 : i32
    %c0_i32_1 = arith.constant 0 : i32
    %c0_i32_2 = arith.constant 0 : i32
    return %c0_i32, %c0_i32_0, %c0_i32_1 : i32, i32, i32
  }
  func.func @transform_7(%arg0: i32) -> (i32, i32, i32) {
    %c0_i32 = arith.constant 0 : i32
    %c0_i32_0 = arith.constant 0 : i32
    %c0_i32_1 = arith.constant 0 : i32
    return %arg0, %c0_i32, %c0_i32_0 : i32, i32, i32
  }
}

module attributes {stable_mosaic.version = 14 : i64} {
  func.func @_compact_body(%arg0: i32, %arg1: memref<10240x8xf32, #tpu.memory_space<vmem>>, %arg2: memref<80x1x128xf32, #tpu.memory_space<vmem>>, %arg3: memref<128x128xf32, #tpu.memory_space<vmem>>, %arg4: memref<128x8xf32, #tpu.memory_space<vmem>>) attributes {dimension_semantics = [#tpu.dimension_semantics<arbitrary>], iteration_bounds = array<i64: 16>, scalar_prefetch = 0 : i64, scratch_operands = 0 : i64, tpu.core_type = #tpu.core_type<tc>, window_params = [{pipeline_mode = #tpu.pipeline_mode<synchronous>, transform_indices = @transform_0, window_bounds = array<i64: 10240, 8>}, {pipeline_mode = #tpu.pipeline_mode<synchronous>, transform_indices = @transform_1, window_bounds = array<i64: 80, 1, 128>}, {pipeline_mode = #tpu.pipeline_mode<synchronous>, transform_indices = @transform_2, window_bounds = array<i64: 128, 128>}, {transform_indices = @transform_3, window_bounds = array<i64: 128, 8>}]} {
    %iota3A = tpu.iota {dimensions = array<i32: 0>} : vector<128x1xi32>
    %mul3A = arith.constant 128 : i32
    %mul3A_0 = arith.muli %arg0, %mul3A : i32
    %add3A = vector.broadcast %mul3A_0 : i32 to vector<128x1xi32>
    %add3A_1 = arith.addi %iota3A, %add3A : vector<128x1xi32>
    %convert_element_type3A = arith.sitofp %add3A_1 : vector<128x1xi32> to vector<128x1xf32>
    %get3A = arith.constant 0 : index
    %get3A_2 = arith.constant 0 : index
    %get3A_3 = vector.load %arg3[%get3A, %get3A_2] : memref<128x128xf32, #tpu.memory_space<vmem>>, vector<128x128xf32>
    %mul3A_4 = arith.constant 128 : i32
    %mul3A_5 = arith.muli %arg0, %mul3A_4 : i32
    %convert_element_type3A_6 = arith.sitofp %mul3A_5 : i32 to f32
    %add3A_7 = arith.constant 1.280000e+02 : f32
    %add3A_8 = arith.addf %convert_element_type3A_6, %add3A_7 : f32
    %broadcast_in_dim3A = arith.constant 0.000000e+00 : f32
    %broadcast_in_dim3A_9 = vector.broadcast %broadcast_in_dim3A : f32 to vector<128x8xf32>
    %scan3A = arith.constant 0.000000e+00 : f32
    %scan3A_10 = arith.constant 0 : i32
    %scan3A_11 = arith.constant 80 : i32
    %scan3A_12 = arith.addi %scan3A_10, %scan3A_11 : i32
    %scan3A_13 = arith.constant 1 : i32
    %scan3A_14:2 = scf.for %scan3A_18 = %scan3A_10 to %scan3A_12 step %scan3A_13 iter_args(%scan3A_19 = %broadcast_in_dim3A_9, %scan3A_20 = %scan3A) -> (vector<128x8xf32>, f32)  : i32 {
      %get3A_21 = arith.index_cast %scan3A_18 : i32 to index
      %get3A_22 = arith.constant 0 : index
      %get3A_23 = arith.constant 0 : index
      %get3A_24 = vector.load %arg2[%get3A_21, %get3A_22, %get3A_23] : memref<80x1x128xf32, #tpu.memory_space<vmem>>, vector<1x1x128xf32>
      %get3A_25 = vector.shape_cast %get3A_24 : vector<1x1x128xf32> to vector<1x128xf32>
      %reduce_sum3A = vector.shape_cast %get3A_25 : vector<1x128xf32> to vector<1x1x128xf32>
      %reduce_sum3A_26 = arith.constant dense<0.000000e+00> : vector<1xf32>
      %reduce_sum3A_27 = vector.multi_reduction <add>, %reduce_sum3A, %reduce_sum3A_26 [1, 2] : vector<1x1x128xf32> to vector<1xf32>
      %reduce_sum3A_28 = vector.shape_cast %reduce_sum3A_27 : vector<1xf32> to vector<1x1x1xf32>
      %reduce_sum3A_29 = vector.extract %reduce_sum3A_28[0, 0, 0] : f32 from vector<1x1x1xf32>
      %gt3A = arith.constant 0.000000e+00 : f32
      %gt3A_30 = arith.cmpf ogt, %reduce_sum3A_29, %gt3A : f32
      %lt3A = arith.cmpf olt, %scan3A_20, %add3A_8 : f32
      %and3A = arith.andi %gt3A_30, %lt3A : i1
      %add3A_31 = arith.addf %scan3A_20, %reduce_sum3A_29 : f32
      %gt3A_32 = arith.cmpf ogt, %add3A_31, %convert_element_type3A_6 : f32
      %and3A_33 = arith.andi %and3A, %gt3A_32 : i1
      %convert_element_type3A_34 = arith.extui %and3A_33 : i1 to i32
      %cond3A = arith.constant 0 : i32
      %cond3A_35 = arith.cmpi ne, %convert_element_type3A_34, %cond3A : i32
      %cond3A_36 = scf.if %cond3A_35 -> (vector<128x8xf32>) {
        %dot_general3A = arith.constant dense<0.000000e+00> : vector<1x128xf32>
        %dot_general3A_38 = tpu.matmul %get3A_25, %get3A_3, %dot_general3A {dimension_numbers = #tpu.dot_dimension_numbers<[1], [0], [0], [1], [0, 0, 1, 1], [], []>, transpose_lhs_hint = false} : vector<1x128xf32>, vector<128x128xf32>, vector<1x128xf32> -> vector<1x128xf32>
        %add3A_39 = vector.broadcast %scan3A_20 : f32 to vector<1x128xf32>
        %add3A_40 = arith.addf %add3A_39, %dot_general3A_38 : vector<1x128xf32>
        %sub3A = arith.subf %add3A_40, %get3A_25 : vector<1x128xf32>
        %eq3A = vector.broadcast %sub3A : vector<1x128xf32> to vector<128x128xf32>
        %eq3A_41 = vector.broadcast %convert_element_type3A : vector<128x1xf32> to vector<128x128xf32>
        %eq3A_42 = arith.cmpf oeq, %eq3A, %eq3A_41 : vector<128x128xf32>
        %gt3A_43 = arith.constant 5.000000e-01 : f32
        %gt3A_44 = vector.broadcast %gt3A_43 : f32 to vector<1x128xf32>
        %gt3A_45 = arith.cmpf ogt, %get3A_25, %gt3A_44 : vector<1x128xf32>
        %and3A_46 = vector.broadcast %gt3A_45 : vector<1x128xi1> to vector<128x128xi1>
        %and3A_47 = arith.andi %eq3A_42, %and3A_46 : vector<128x128xi1>
        %convert_element_type3A_48 = arith.extui %and3A_47 : vector<128x128xi1> to vector<128x128xi32>
        %convert_element_type3A_49 = arith.sitofp %convert_element_type3A_48 : vector<128x128xi32> to vector<128x128xf32>
        %mul3A_50 = arith.constant 128 : i32
        %mul3A_51 = arith.muli %scan3A_18, %mul3A_50 : i32
        %get3A_52 = arith.index_cast %mul3A_51 : i32 to index
        %get3A_53 = arith.constant 0 : index
        %get3A_54 = vector.load %arg1[%get3A_52, %get3A_53] : memref<10240x8xf32, #tpu.memory_space<vmem>>, vector<128x8xf32>
        %dot_general3A_55 = arith.constant dense<0.000000e+00> : vector<128x8xf32>
        %dot_general3A_56 = tpu.matmul %convert_element_type3A_49, %get3A_54, %dot_general3A_55 {dimension_numbers = #tpu.dot_dimension_numbers<[1], [0], [0], [1], [0, 0, 1, 1], [], []>, precision = #tpu.contract_precision<fp32>, transpose_lhs_hint = false} : vector<128x128xf32>, vector<128x8xf32>, vector<128x8xf32> -> vector<128x8xf32>
        %add3A_57 = arith.addf %scan3A_19, %dot_general3A_56 : vector<128x8xf32>
        scf.yield %add3A_57 : vector<128x8xf32>
      } else {
        scf.yield %scan3A_19 : vector<128x8xf32>
      }
      %add3A_37 = arith.addf %scan3A_20, %reduce_sum3A_29 : f32
      scf.yield %cond3A_36, %add3A_37 : vector<128x8xf32>, f32
    }
    %scan3A_15 = arith.constant 80 : i32
    %swap3A = arith.constant 0 : index
    %swap3A_16 = arith.constant 0 : index
    %swap3A_17 = vector.load %arg4[%swap3A, %swap3A_16] : memref<128x8xf32, #tpu.memory_space<vmem>>, vector<128x8xf32>
    tpu.vector_store %arg4[%swap3A, %swap3A_16], %scan3A_14#0 {strides = array<i32>} : memref<128x8xf32, #tpu.memory_space<vmem>>, vector<128x8xf32>,
    return
  }
  func.func @transform_0(%arg0: i32) -> (i32, i32) {
    %c0_i32 = arith.constant 0 : i32
    %c0_i32_0 = arith.constant 0 : i32
    %c0_i32_1 = arith.constant 0 : i32
    return %c0_i32, %c0_i32_0 : i32, i32
  }
  func.func @transform_1(%arg0: i32) -> (i32, i32, i32) {
    %c0_i32 = arith.constant 0 : i32
    %c0_i32_0 = arith.constant 0 : i32
    %c0_i32_1 = arith.constant 0 : i32
    %c0_i32_2 = arith.constant 0 : i32
    return %c0_i32, %c0_i32_0, %c0_i32_1 : i32, i32, i32
  }
  func.func @transform_2(%arg0: i32) -> (i32, i32) {
    %c0_i32 = arith.constant 0 : i32
    %c0_i32_0 = arith.constant 0 : i32
    %c0_i32_1 = arith.constant 0 : i32
    return %c0_i32, %c0_i32_0 : i32, i32
  }
  func.func @transform_3(%arg0: i32) -> (i32, i32) {
    %c0_i32 = arith.constant 0 : i32
    %c0_i32_0 = arith.constant 0 : i32
    return %arg0, %c0_i32 : i32, i32
  }
}

</mosaic_0001>

<sc_bundles>
// kernel: kernel.8.cloned.1.call-start
scs
__scs_entry_jumppad:
0x0: {  	(pc) =	sbr.rel $0x88, $3  }
0x1: {  	(tag) =	ssettag $0x0;
	lr =	simm.s32 $0x1  }
0x2: {  	[smem:$0x3F9A] =	sst lr;
	_ =	strace $0xD0000000  }
0x3: {  	_ = 	snop  }
0x4: {  	_ = 	snop  }
0x5: {  	_ = 	snop  }
0x6: {  	_ = 	snop  }
0x7: {  	_ = 	snop  }
__scs_overlays_trampoline_lowered:
0x8: {  	[smem:$0x3FA9] =	sst s0  }
0x9: {  	[smem:$0x3FAA] =	sst s1  }
0xa: {  	[smem:$0x3FAB] =	sst s2  }
0xb: {  	[smem:$0x3FAC] =	sst s3  }
0xc: {  	[smem:$0x3FAD] =	sst s4  }
0xd: {  	[smem:$0x3FAE] =	sst s5  }
0xe: {  	[smem:$0x3FAF] =	sst s6  }
0xf: {  	[smem:$0x3FB0] =	sst s7  }
0x10: {  	[smem:$0x3FB1] =	sst s8  }
0x11: {  	[smem:$0x3FB2] =	sst s9;
	s0 =	simm.s32 @!p0 $0x0  }
0x12: {  	s1 =	sld [smem:$0x3F98];
	s0 =	simm.s32 @p0 $0x1  }
0x13: {  	[smem:$0x3FB3] =	sst s0;
	s0 =	simm.s32 @!p1 $0x0  }
0x14: {  	s2 =	sld [smem:$0x3F97];
	s0 =	simm.s32 @p1 $0x1  }
0x15: {  	[smem:$0x3FB4] =	sst s0;
	s0 =	simm.s32 @!p2 $0x0  }
0x16: {  	s3 =	sld [smem:$0x3FDB];
	s0 =	simm.s32 @p2 $0x1  }
0x17: {  	s4 =	simm.s32 $0x1BF5;
	[smem:$0x3FB6] =	sst s0  }
0x18: {  	s0 =	sld [smem:$0x3F99];
	_ =	swait.ge [sflag:s4], $0x0  }
0x19: {  	s7 =	sld [smem:$0x3F9A]  }
0x1a: {  	s8 =	sadd.s32 $0xFFFFE003, lr  }
0x1b: {  	s9 =	sadd.s32 $0xFFFFFEF7, lr;
	s5 =	simm.s32 $0xFFFFFFFF;
	p2 =	slt.u32 s8, $0xFFFFF086  }
0x1c: {  	p1 =	slt.u32 s9, $0xF7A;
	s5 =	simm.s32 @!p2 $0x0  }
0x1d: {  	s5 =	simm.s32 @p1 $0x1;
	p0 =	seq.s32 s7, s2  }
0x1e: {  	s7 =	smul.u32 @!p0 $0xF7A, s2;
	p2 =	seq.s32 @!p0 s5, $0x0  }
0x1f: {  	s9 =	smul.u32 $0xF7A, s1;
	s8 =	simm.s32 @!p0 $0x1BF5;
	p2 =	por !p2, p0  }
0x20: {  	[sflag:s8] =	ssyncset.s32 @!p0 $0xFFFFF086;
	s6 =	sadd.s32 @!p0 s3, s7;
	s7 =	simm.s32 @!p0 $0x108  }
0x21: {  	s3 =	sadd.s32 s3, s9;
	s6 =	sadd.s32 @!p0 $0x88, s6;
	s7 =	simm.s32 @p2 $0x1082  }
0x22: {  	[simem:s7], [sflag:s8] =	dma.local @!p0 [hbm:s6], $0xF7A  }
0x23: {  	s9 =	sor.u32 $0xD0000000, s2;
	s6 =	simm.s32 $0x108;
	_ =	swait.ge @!p0 [sflag:s8], $0x0  }
0x24: {  	s3 =	sadd.s32 $0x88, s3;
	s6 =	simm.s32 @!p1 $0x1082;
	[sflag:s4] =	ssyncset.s32 $0xFFFFF086  }
0x25: {  	[simem:s6], [sflag:s4] =	dma.local [hbm:s3], $0xF7A  }
0x26: {  	[smem:$0x3F9A] =	sst s1;
	(tag) =	ssettag s2;
	_ =	strace s9  }
0x27: {  	s1 =	sld [smem:$0x3FAA]  }
0x28: {  	s2 =	sld [smem:$0x3FAB]  }
0x29: {  	s4 =	sld [smem:$0x3FAD]  }
0x2a: {  	p0 =	seq.s32 s5, $0x0;
	s5 =	sld [smem:$0x3FAE]  }
0x2b: {  	s6 =	sld [smem:$0x3FAF]  }
0x2c: {  	s7 =	sld [smem:$0x3FB0]  }
0x2d: {  	s3 =	simm.s32 $0x108;
	s8 =	sld [smem:$0x3FB1]  }
0x2e: {  	s3 =	simm.s32 @!p0 $0x1082;
	s9 =	sld [smem:$0x3FB2]  }
0x2f: {  	lr =	sadd.s32 s0, s3;
	s0 =	sld [smem:$0x3FA9]  }
0x30: {  	s3 =	sld [smem:$0x3FAC]  }
0x31: {  	[smem:$0x3FB5] =	sst s10  }
0x32: {  	s10 =	sld [smem:$0x3FB3];
	_ =	sdelay $0x3  }
0x33: {  	p0 =	seq.s32 s10, $0x1;
	s10 =	sld [smem:$0x3FB5];
	_ =	sdelay $0x3  }
0x34: {  	[smem:$0x3FB5] =	sst s10  }
0x35: {  	s10 =	sld [smem:$0x3FB4];
	_ =	sdelay $0x3  }
0x36: {  	p1 =	seq.s32 s10, $0x1;
	s10 =	sld [smem:$0x3FB5];
	_ =	sdelay $0x3  }
0x37: {  	[smem:$0x3FB5] =	sst s10  }
0x38: {  	s10 =	sld [smem:$0x3FB6]  }
0x39: {  	_ = 	snop;
	(pc) =	sbr.ind lr, $3  }
0x3a: {  	_ = 	snop  }
0x3b: {  	_ = 	snop  }
0x3c: {  	p2 =	seq.s32 s10, $0x1;
	s10 =	sld [smem:$0x3FB5]  }
0x3d: {  	_ =	shalt  }
0x3e: {  	_ =	shalt  }
0x3f: {  	_ =	shalt  }
0x40: {  	_ =	shalt  }
0x41: {  	_ =	shalt  }
0x42: {  	_ =	shalt  }
0x43: {  	_ =	shalt  }
0x44: {  	_ =	shalt  }
0x45: {  	_ =	shalt  }
0x46: {  	_ =	shalt  }
0x47: {  	_ =	shalt  }
0x48: {  	_ =	shalt  }
0x49: {  	_ =	shalt  }
0x4a: {  	_ =	shalt  }
0x4b: {  	_ =	shalt  }
0x4c: {  	_ =	shalt  }
0x4d: {  	_ =	shalt  }
0x4e: {  	_ =	shalt  }
0x4f: {  	_ =	shalt  }
0x50: {  	_ =	shalt  }
0x51: {  	_ =	shalt  }
0x52: {  	_ =	shalt  }
0x53: {  	_ =	shalt  }
0x54: {  	_ =	shalt  }
0x55: {  	_ =	shalt  }
0x56: {  	_ =	shalt  }
0x57: {  	_ =	shalt  }
0x58: {  	_ =	shalt  }
0x59: {  	_ =	shalt  }
0x5a: {  	_ =	shalt  }
0x5b: {  	_ =	shalt  }
0x5c: {  	_ =	shalt  }
0x5d: {  	_ =	shalt  }
0x5e: {  	_ =	shalt  }
0x5f: {  	_ =	shalt  }
0x60: {  	_ =	shalt  }
0x61: {  	_ =	shalt  }
0x62: {  	_ =	shalt  }
0x63: {  	_ =	shalt  }
0x64: {  	_ =	shalt  }
0x65: {  	_ =	shalt  }
0x66: {  	_ =	shalt  }
0x67: {  	_ =	shalt  }
0x68: {  	_ =	shalt  }
0x69: {  	_ =	shalt  }
0x6a: {  	_ =	shalt  }
0x6b: {  	_ =	shalt  }
0x6c: {  	_ =	shalt  }
0x6d: {  	_ =	shalt  }
0x6e: {  	_ =	shalt  }
0x6f: {  	_ =	shalt  }
0x70: {  	_ =	shalt  }
0x71: {  	_ =	shalt  }
0x72: {  	_ =	shalt  }
0x73: {  	_ =	shalt  }
0x74: {  	_ =	shalt  }
0x75: {  	_ =	shalt  }
0x76: {  	_ =	shalt  }
0x77: {  	_ =	shalt  }
0x78: {  	_ =	shalt  }
0x79: {  	_ =	shalt  }
0x7a: {  	_ =	shalt  }
0x7b: {  	_ =	shalt  }
0x7c: {  	_ =	shalt  }
0x7d: {  	_ =	shalt  }
0x7e: {  	_ =	shalt  }
0x7f: {  	_ =	shalt  }
0x80: {  	_ =	shalt  }
0x81: {  	_ =	shalt  }
0x82: {  	_ =	shalt  }
0x83: {  	_ =	shalt  }
0x84: {  	_ =	shalt  }
0x85: {  	_ =	shalt  }
0x86: {  	_ =	shalt  }
0x87: {  	_ =	shalt  }
.Lfunc_end0:
.L_simem_size_0:
called_computation_lowered:
.L_overlay_start_0:
0x88: {  	s2 =	sld [smem:$0x3FD9]  }
0x89: {  	s3 =	sld [smem:$0x3FFE];
	_ =	sdelay $0x1  }
0x8a: {  	s1 =	srdreg.scid  }
0x8b: {  	s0 =	sand.u32 $0x1, s1  }
0x8c: {  	s16 =	sshll.u32 s0, $0xA;
	s2 =	sadd.s32 s3, s2  }
0x8d: {  	s2 =	sadd.s32 s2, s16  }
0x8e: {  	[smem:$0x3FC1] =	sst s2  }
0x8f: {  	_ = 	snop  }
0x90: {  	(tm) =	ssettm $0x1  }
0x91: {  	s17 =	sld [smem:$0x3FFB];
	_ =	sdelay $0x3  }
0x92: {  	_ =	strace s17  }
0x93: {  	s2 =	sld [smem:$0x3FFC];
	_ =	sdelay $0x3  }
0x94: {  	_ =	strace s2  }
0x95: {  	s2 =	sld [smem:$0x3FFD];
	_ =	sdelay $0x3  }
0x96: {  	_ =	strace s2  }
0x97: {  	_ =	strace $0x8FFFFFFF  }
0x98: {  	s18 =	sld [smem:$0x3FDB];
	_ =	sdelay $0x1  }
0x99: {  	s19 =	simm.s32 $_scs_section_size  }
0x9a: {  	s4 =	simm.s32 $_size__tile_overlayer_lowered;
	s5 =	simm.s32 $_tile_overlayer_lowered  }
0x9b: {  	s22 =	simm.s32 $0x1BFF;
	s21 =	sshll.u32 s5, $0x1;
	s2 =	sadd.s32 s19, s18  }
0x9c: {  	s6 =	simm.s32 $0x0;
	s20 =	sshll.u32 s4, $0x1;
	s4 =	sadd.s32 s21, s2  }
0x9d: {  	[timem:s6], [sflag:s22] =	dma.local [hbm:s4], s20  }
0x9e: {  	_ =	swait.ge [sflag:s22], s20  }
0x9f: {  	s3 =	ssub.s32 $0x0, s20;
	[sflag:s22] =	ssyncset.done $0x0  }
0xa0: {  	[sflag:s22] =	ssyncadd.s32 s3;
	_ =	sdelay $0x1  }
0xa1: {  	s23 =	simm.s32 $0x1B8B  }
0xa2: {  	_ =	swait.ge [sflag:s23], $0x1  }
0xa3: {  	[sflag:s23] =	ssyncset.done $0x0  }
0xa4: {  	s25 =	simm.s32 $0x1B8E;
	s24 =	sld [smem:$0x3FFE];
	[sflag:s23] =	ssyncadd.s32 $0xFFFFFFFF  }
0xa5: {  	s26 =	simm.s32 $execute0_lowered;
	[smem:$0x3FD2] =	sst s25  }
0xa6: {  	s4 =	sshll.u32 s26, $0x1;
	_ =	strace $0x80000046;
	[dreg:$0x1] =	wrdreg $0xFFFFFFFF  }
0xa7: {  	s28 =	simm.s32 $_size_execute0_lowered;
	s2 =	sadd.s32 s2, s4;
	[dreg:$0x0] =	wrdreg $0x0  }
0xa8: {  	s4 =	sshll.u32 s28, $0x1;
	[dreg:$0x2] =	wrdreg s2  }
0xa9: {  	[dreg:$0x3] =	wrdreg s4  }
0xaa: {  	[dreg:$0x4] =	wrdreg $0xC0  }
0xab: {  	_ =	task [dreg:s6], $0x5FFFF  }
0xac: {  	[dreg:$0x1] =	wrdreg $0xFFFFFFFF  }
0xad: {  	[dreg:$0x0] =	wrdreg $0x60  }
0xae: {  	[dreg:$0x2] =	wrdreg s24  }
0xaf: {  	[dreg:$0x3] =	wrdreg $0x9  }
0xb0: {  	_ =	task.clear_ibuf [dreg:s6], $0x4FFFF;
	_ =	strace $0x90000046  }
0xb1: {  	s29 =	simm.s32 $0x9;
	_ =	strace $0x80000048  }
0xb2: {  	_ =	swait.ge [sflag:s29], $0x1  }
0xb3: {  	[sflag:s29] =	ssyncadd.s32 $0xFFFFFFFF  }
0xb4: {  	_ =	strace $0x90000048  }
0xb5: {  	_ =	sfence  }
0xb6: {  	s30 =	sld [smem:$0x0];
	_ =	sdelay $0x2  }
0xb7: {  	s31 =	sshll.u32 s1, $0xD;
	s1 =	sshrl.u32 s1, $0x2  }
0xb8: {  	s3 =	sand.u32 $0x4000, s31;
	s1 =	sadd.s32 s1, s30  }
0xb9: {  	s0 =	sor.u32 s3, s0;
	s1 =	sshll.u32 s1, $0x11  }
0xba: {  	s0 =	sor.u32 s1, s0  }
0xbb: {  	s0 =	sadd.s32 $0x8F2B, s0  }
0xbc: {  	[sflag:s0] =	ssyncadd.remote.s32 $0x1  }
0xbd: {  	_ =	sfence.sel $0xFFFF  }
0xbe: {  	[dreg:$0x0] =	wrdreg $0xFFFFFFFF;
	(pc) =	sbr.abs _section_cstart, $3  }
0xbf: {  	[dreg:$0x1] =	wrdreg $0xFFFFFFFF  }
0xc0: {  	_ =	task.clear_ibuf [dreg:s6], $0x2FFFF;
	_ =	strace $0x9FFFFFFF  }
0xc1: {  	(tm) =	ssettm $0x7FFFFFFF  }
tec
execute0_lowered:
.L_overlay_start_1:
0x0: {  	(tag) =	ssettag $0x1  }
0x1: {  	s1 =	srdreg.scid  }
0x2: {  	s0 =	stileid.u32;
	s5 =	rddreg [dreg:$0x0]  }
0x3: {  	s2 =	simm.s32 $0x0;
	s10 =	simm.s32 $0x1;
	s11 =	simm.s32 $0x0  }
0x4: {  	s3 =	sand.u32 $0x1, s1;
	s4 =	sshll.u32 s0, $0x1;
	[smem:$0x7FF] =	sst s2  }
0x5: {  	s1 =	rddreg [dreg:$0x1];
	s4 =	sor.u32 s3, s4;
	_ =	strace $0x80000047  }
0x6: {  	s7 =	ssub.s32 $0x2, s3;
	s3 =	sadd.s32 $0x5AC00, s5;
	s6 =	smul.u32 $0x5A, s4  }
0x7: {  	s8 =	sshrl.u32 s7, $0x1;
	s9 =	smul.u32 $0x2D00, s4;
	s30 =	sshll.u32 s4, $0x2  }
0x8: {  	s7 =	ssub.s32 s7, s8;
	s31 =	sor.u32 $0x2800, s30;
	s8 =	simm.s32 $0x300  }
0x9: {  	s6 =	sadd.s32 s6, s5;
	s5 =	sadd.s32 s5, s9;
	s9 =	simm.s32 $0x2D0  }
0xa: {  	v0 =	vmov s31;
	s4 =	sadd.s32 $0x5A000, s6;
	s6 =	smax.u32 s7, $0x1;
	s7 =	simm.s32 $0x2  }
.LBB2_1:
0xb: {  	[tilespmem:s2], [sflag:$0x2] =	stream.linear.gather [hbm4b:s4+s2], $0x2D0, $0x38;
	[tilespmem:$0x16B00] =	vst v63  }
0xc: {  	_ =	swait.ge [sflag:s7], $0x2D0  }
0xd: {  	[sflag:s7] =	ssyncset.done $0x0  }
0xe: {  	[sflag:s7] =	ssyncadd.s32 $0xFFFFFD30  }
0xf: {  	[tilespmem:s8], [sflag:$0x2] =	stream.linear.gather [hbm4b:s5+s2], $0x16800, $0x38;
	[tilespmem:$0x16B00] =	vst v63  }
0x10: {  	_ =	swait.ge [sflag:s7], $0x16800  }
0x11: {  	[sflag:s7] =	ssyncset.done $0x0  }
0x12: {  	s12 =	simm.s32 $0x0;
	s13 =	simm.s32 $0x40;
	[sflag:s7] =	ssyncadd.s32 $0xFFFE9800  }
.LBB2_2:
0x13: {  	p0 =	sne.s32 s13, $0xB00;
	v1 =	vld [tilespmem:s12+$0x0];
	_ =	sdelay $0x4  }
0x14: {  	v2 =	vshra.s32 v1, $0x1F  }
0x15: {  	v2 =	vshrl.u32 v2, $0x1E  }
0x16: {  	v2 =	vadd.s32 v2, v1  }
0x17: {  	v2 =	vshrl.u32 v2, $0x2  }
.Ltmp0:
0x18: {  	v2 =	vshll.u32 v2, $0x2;
	(pc) =	sbr.rel @p0 .LBB2_2-.Ltmp0, $4  }
0x19: {  	v2 =	vsub.s32 v1, v2  }
0x1a: {  	vm0 =	vlt.s32 v1, $0x2800;
	v2 =	vadd.s32 v0, v2  }
0x1b: {  	v1 =	vsel vm0, v1, v2  }
0x1c: {  	[tilespmem:s12+$0x0] =	vst v1;
	s12 =	sshra.s32 s13, $0x2;
	s13 =	sadd.s32 $0x40, s13  }
0x1d: {  	v1 =	vld [tilespmem:s12+$0x0];
	_ =	sdelay $0x4  }
0x1e: {  	v2 =	vshra.s32 v1, $0x1F  }
0x1f: {  	v2 =	vshrl.u32 v2, $0x1E  }
0x20: {  	v2 =	vadd.s32 v2, v1  }
0x21: {  	v2 =	vshrl.u32 v2, $0x2  }
0x22: {  	v2 =	vshll.u32 v2, $0x2  }
0x23: {  	v2 =	vsub.s32 v1, v2  }
0x24: {  	s11 =	sadd.s32 $0x1, s11;
	vm0 =	vlt.s32 v1, $0x2800;
	v2 =	vadd.s32 v0, v2  }
0x25: {  	p0 =	sne.s32 s11, s6;
	v1 =	vsel vm0, v1, v2  }
.Ltmp1:
0x26: {  	[tilespmem:s12+$0x0] =	vst v1;
	(pc) =	sbr.rel @p0 .LBB2_1-.Ltmp1, $4  }
0x27: {  	[hbm4b:s3+s9] =	stream.indirect.scatter [tilespmem:s8], [sflag:$0x1], $0x80, s2, s9, $0xb8;
	[tilespmem:$0x16B00] =	vst v63  }
0x28: {  	_ =	swait.ge [sflag:s10], $0x16800  }
0x29: {  	[sflag:s10] =	ssyncset.done $0x0  }
0x2a: {  	[sflag:s10] =	ssyncadd.s32 $0xFFFE9800  }
0x2b: {  	_ =	sfence.sel $0x180000  }
0x2c: {  	[bflag:$0x0] =	sbarrier.arrive $0xFFFF  }
0x2d: {  	p0 =	sne.s32 s0, $0x0;
	_ =	strace $0x90000047  }
0x2e: {  	s0 =	sadd.s32 @!p0 $0x100000, s1;
	[bflag:$0x2] =	sbarrier.arrive $0xFFFF  }
0x2f: {  	[sflag:s0] =	ssyncadd.tile.s32 @!p0 $0x1;
	_ =	shalt  }
.Lfunc_end2:
_tile_overlayer_lowered:
.L_overlay_start_2:
0x30: {  	(tag) =	ssettag $0x2  }
0x31: {  	s0 =	rddreg [dreg:$0x0];
	s2 =	stileid.u32  }
0x32: {  	s1 =	rddreg [dreg:$0x1];
	p0 =	sne.s32 s2, $0x0  }
0x33: {  	s3 =	rddreg [dreg:$0x2];
	[bflag:$0x3] =	sbarrier.arrive $0xFFFF;
	s2 =	simm.s32 @!p0 $0x1C02  }
0x34: {  	[timem:s3], [sflag:s2] =	dma.local @!p0 [hbm:s0], s1  }
0x35: {  	s0 =	simm.s32 @!p0 $0x2  }
0x36: {  	_ =	swait.ge @!p0 [sflag:s0], s1  }
0x37: {  	s1 =	ssub.s32 @!p0 $0x0, s1;
	[sflag:s0] =	ssyncset.done @!p0 $0x0  }
0x38: {  	[sflag:s0] =	ssyncadd.s32 @!p0 s1  }
0x39: {  	[bflag:$0x3] =	sbarrier.arrive $0xFFFF  }
0x3a: {  	_ =	shalt  }

</sc_bundles>
